<compile_context>
chip_gen: v7x
topology: tpu7x:2x2x1
jax: 0.10.2.dev20260603
libtpu: 0.0.44.dev20260713+nightly
codegen_flags: <defaults>
</compile_context>

<pallas_src>
import functools

import jax
import jax.numpy as jnp
from jax import lax
from jax.experimental import pallas as pl
from jax.experimental.pallas import tpu as pltpu
from jax.experimental.pallas import tpu_sc as plsc

NC = 2
NS = 16
NW = NC * NS
CH = 128


def _mesh():
    return plsc.VectorSubcoreMesh(core_axis_name="c", subcore_axis_name="s")


def _zero_stripe(zero_hbm, dst_ref, base, stripe):
    full, rem = divmod(stripe, 128)
    for t in range(full):
        pltpu.sync_copy(zero_hbm, dst_ref.at[pl.ds(base + t * 128, 128)])
    if rem:
        pltpu.sync_copy(zero_hbm.at[pl.ds(0, rem)],
                        dst_ref.at[pl.ds(base + full * 128, rem)])


def _sc_hist(edges3, zeros_n, n_pad):
    n_chunks = edges3.shape[1]
    cpw = n_chunks // NW

    @functools.partial(
        pl.kernel,
        out_type=jax.ShapeDtypeStruct((NW * n_pad,), jnp.float32),
        mesh=_mesh(),
        compiler_params=pltpu.CompilerParams(needs_layout_passes=False),
        scratch_types=[
            pltpu.VMEM((n_pad,), jnp.float32),
            pltpu.VMEM((cpw, CH), jnp.int32),
        ],
    )
    def k(edges_hbm, z_hbm, out_hbm, hist, idx_v):
        c = lax.axis_index("c")
        s = lax.axis_index("s")
        wid = s * NC + c
        pltpu.sync_copy(z_hbm, hist)
        pltpu.sync_copy(edges_hbm.at[1, pl.ds(wid * cpw, cpw)], idx_v)
        ones = jnp.ones((16,), jnp.float32)

        def body(r, carry):
            for k16 in range(0, CH, 16):
                iv = idx_v[r, pl.ds(k16, 16)]
                plsc.addupdate_scatter(hist, [iv], ones)
            return carry

        lax.fori_loop(0, cpw, body, 0)
        pltpu.sync_copy(hist, out_hbm.at[pl.ds(wid * n_pad, n_pad)])

    return k(edges3, zeros_n)


def _sc_scatter(h2, edges3, zeros128, n_pad):
    n, d = h2.shape
    n_chunks = edges3.shape[1]
    cpw = n_chunks // NW
    stripe = n_pad // NS

    hpw = cpw // 2

    @functools.partial(
        pl.kernel,
        out_type=jax.ShapeDtypeStruct((NC * NS, stripe, d), jnp.float32),
        mesh=_mesh(),
        scratch_types=[
            pltpu.VMEM_SHARED((n_pad, d), jnp.float32),
            pltpu.VMEM((hpw, CH), jnp.int32),
            pltpu.VMEM((hpw, CH), jnp.int32),
            pltpu.VMEM((CH, d), jnp.float32),
            pltpu.VMEM((CH, d), jnp.float32),
            pltpu.SemaphoreType.DMA,
            pltpu.SemaphoreType.DMA,
        ],
    )
    def k(h2_hbm, edges_hbm, z_hbm, out_hbm,
          agg, isrc, idst, buf_a, buf_b, sem_a, sem_b):
        c = lax.axis_index("c")
        s = lax.axis_index("s")
        wid = s * NC + c
        base = s * stripe
        _zero_stripe(z_hbm, agg, base, stripe)
        plsc.subcore_barrier()

        for ph in range(2):
            off = wid * cpw + ph * hpw
            pltpu.sync_copy(edges_hbm.at[0, pl.ds(off, hpw)], isrc)
            pltpu.sync_copy(edges_hbm.at[1, pl.ds(off, hpw)], idst)
            pltpu.async_copy(h2_hbm.at[isrc.at[0]], buf_a, sem_a)
            pltpu.async_copy(h2_hbm.at[isrc.at[1]], buf_b, sem_b)

            def body(j2, carry):
                ja = 2 * j2
                jb = ja + 1
                pltpu.make_async_copy(h2_hbm.at[isrc.at[ja]], buf_a,
                                      sem_a).wait()
                pltpu.sync_copy(buf_a, agg.at[idst.at[ja]], add=True)

                @pl.when(ja + 2 < hpw)
                def _():
                    pltpu.async_copy(h2_hbm.at[isrc.at[ja + 2]], buf_a, sem_a)

                pltpu.make_async_copy(h2_hbm.at[isrc.at[jb]], buf_b,
                                      sem_b).wait()
                pltpu.sync_copy(buf_b, agg.at[idst.at[jb]], add=True)

                @pl.when(jb + 2 < hpw)
                def _():
                    pltpu.async_copy(h2_hbm.at[isrc.at[jb + 2]], buf_b, sem_b)

                return carry

            lax.fori_loop(0, hpw // 2, body, 0)
        plsc.subcore_barrier()
        pltpu.sync_copy(agg.at[pl.ds(base, stripe)], out_hbm.at[c * NS + s])

    out = k(h2, edges3, zeros128)
    return out.reshape(NC, n_pad, d)


def _tc_h2(x, w, hist, blk):
    n, d = x.shape

    def body(x_ref, w_ref, hist_ref, h2_ref, dinv_ref):
        deg = lax.dot_general(hist_ref[...], jnp.ones((NW, 1), jnp.float32),
                              (((0,), (0,)), ((), ())),
                              preferred_element_type=jnp.float32) + 1.0
        dinv = lax.rsqrt(deg)
        dinv_ref[...] = jnp.broadcast_to(dinv, dinv_ref.shape)
        h = jnp.dot(x_ref[...], w_ref[...], preferred_element_type=jnp.float32)
        h2_ref[...] = h * dinv

    return pl.pallas_call(
        body,
        grid=((n + blk - 1) // blk,),
        in_specs=[
            pl.BlockSpec((blk, d), lambda i: (i, 0)),
            pl.BlockSpec((d, d), lambda i: (0, 0)),
            pl.BlockSpec((NW, blk), lambda i: (0, i)),
        ],
        out_specs=[
            pl.BlockSpec((blk, d), lambda i: (i, 0)),
            pl.BlockSpec((blk, 16), lambda i: (i, 0)),
        ],
        out_shape=[
            jax.ShapeDtypeStruct((n, d), jnp.float32),
            jax.ShapeDtypeStruct((n, 16), jnp.float32),
        ],
    )(x, w, hist)


def _tc_pre(parts, h2, dinv, b2, blk):
    n, d = h2.shape

    def body(p_ref, h2_ref, dinv_ref, b_ref, op_ref, st_ref):
        blk_rows = h2_ref.shape[0]
        tot = p_ref[0] + p_ref[1] + h2_ref[...]
        op = tot * dinv_ref[:, 0:1] + b_ref[...]
        op_ref[...] = op

        @pl.when(pl.program_id(0) == 0)
        def _():
            st_ref[...] = jnp.zeros_like(st_ref)

        rid = (lax.broadcasted_iota(jnp.int32, (blk_rows, 1), 0)
               + pl.program_id(0) * blk_rows)
        opm = jnp.where(rid < n, op, 0.0)
        st_ref[0:1, :] += jnp.sum(opm, axis=0, keepdims=True)
        st_ref[1:2, :] += jnp.sum(opm * opm, axis=0, keepdims=True)

    return pl.pallas_call(
        body,
        grid=((n + blk - 1) // blk,),
        in_specs=[
            pl.BlockSpec((2, blk, d), lambda i: (0, i, 0)),
            pl.BlockSpec((blk, d), lambda i: (i, 0)),
            pl.BlockSpec((blk, 16), lambda i: (i, 0)),
            pl.BlockSpec((1, d), lambda i: (0, 0)),
        ],
        out_specs=[
            pl.BlockSpec((blk, d), lambda i: (i, 0)),
            pl.BlockSpec((8, d), lambda i: (0, 0)),
        ],
        out_shape=[
            jax.ShapeDtypeStruct((n, d), jnp.float32),
            jax.ShapeDtypeStruct((8, d), jnp.float32),
        ],
    )(parts, h2, dinv, b2)


def _tc_fin(out_pre, stats, x, bnw2, bnb2, blk):
    n, d = x.shape
    inv_n = 1.0 / n

    def body(op_ref, st_ref, x_ref, w_ref, b_ref, out_ref):
        mean = st_ref[0:1, :] * inv_n
        var = st_ref[1:2, :] * inv_n - mean * mean
        rstd = lax.rsqrt(var + 1e-5)
        y = (op_ref[...] - mean) * (rstd * w_ref[...]) + b_ref[...]
        out_ref[...] = jnp.maximum(y, 0.0) + x_ref[...]

    return pl.pallas_call(
        body,
        grid=((n + blk - 1) // blk,),
        in_specs=[
            pl.BlockSpec((blk, d), lambda i: (i, 0)),
            pl.BlockSpec((8, d), lambda i: (0, 0)),
            pl.BlockSpec((blk, d), lambda i: (i, 0)),
            pl.BlockSpec((1, d), lambda i: (0, 0)),
            pl.BlockSpec((1, d), lambda i: (0, 0)),
        ],
        out_specs=pl.BlockSpec((blk, d), lambda i: (i, 0)),
        out_shape=jax.ShapeDtypeStruct((n, d), jnp.float32),
    )(out_pre, stats, x, bnw2, bnb2)


def kernel(x, edge_index, W, b, bn_weight, bn_bias):
    n, d = x.shape
    e = edge_index.shape[1]

    cpw = 8 * ((e + NW * CH * 8 - 1) // (NW * CH * 8))
    e_pad = cpw * NW * CH
    pad = e_pad - e
    n_pad = 128 * ((n + 127) // 128) + 128

    pad_src = jnp.arange(pad, dtype=jnp.int32) % jnp.int32(n)
    pad_dst = n + jnp.arange(pad, dtype=jnp.int32) % (n_pad - n)
    edges3 = jnp.concatenate(
        [edge_index.astype(jnp.int32), jnp.stack([pad_src, pad_dst])],
        axis=1).reshape(2, e_pad // CH, CH)
    zeros128 = jnp.zeros((128, d), jnp.float32)
    zeros_n = jnp.zeros((n_pad,), jnp.float32)

    blk = 1024

    hist = _sc_hist(edges3, zeros_n, n_pad).reshape(NW, n_pad)
    h2, dinv = _tc_h2(x, W, hist, blk)
    parts = _sc_scatter(h2, edges3, zeros128, n_pad)
    out_pre, stats = _tc_pre(parts, h2, dinv, b.reshape(1, d), blk)
    return _tc_fin(out_pre, stats, x, bn_weight.reshape(1, d),
                   bn_bias.reshape(1, d), blk)

# --- scband reference (transcript-rebuilt; emitter-appended) ---
"""Pipeline reference for scband-residual-gcnlayer-47373489274964 (READ-ONLY COPY).

The authoritative reference and input builder live on the scoring server;
editing this copy changes nothing except your own understanding.
"""

import jax, jax.numpy as jnp
import numpy as np

N_NODES = 10000
N_EDGES = 320000
DIMS = 128

def setup_inputs(seed: int = 0) -> dict:
    key = jax.random.key(seed)
    k1, k2, k3, k4 = jax.random.split(key, 4)
    x = jax.random.normal(k1, (N_NODES, DIMS), dtype=jnp.float32)
    edge_index = jax.random.randint(k2, (2, N_EDGES), 0, N_NODES, dtype=jnp.int64)
    # GCNConv params (glorot-ish init)
    W = jax.random.normal(k3, (DIMS, DIMS), dtype=jnp.float32) * (1.0 / np.sqrt(DIMS))
    b = jnp.zeros((DIMS,), dtype=jnp.float32)
    # BatchNorm1d params
    bn_weight = jnp.ones((DIMS,), dtype=jnp.float32)
    bn_bias = jnp.zeros((DIMS,), dtype=jnp.float32)
    return {"x": x, "edge_index": edge_index, "W": W, "b": b, "bn_weight": bn_weight, "bn_bias": bn_bias}

def reference(x, edge_index, W, b, bn_weight, bn_bias):
    N = x.shape[0]
    residual = x
    # --- GCNConv with add_self_loops and symmetric normalization ---
    loop = jnp.arange(N, dtype=edge_index.dtype)
    src = jnp.concatenate([edge_index[0], loop])
    dst = jnp.concatenate([edge_index[1], loop])
    deg = jnp.zeros((N,), dtype=x.dtype).at[dst].add(1.0)
    deg_inv_sqrt = jnp.where(deg > 0, 1.0 / jnp.sqrt(deg), 0.0)
    norm = deg_inv_sqrt[src] * deg_inv_sqrt[dst]
    h = x @ W                       # linear transform
    msg = norm[:, None] * h[src]    # gather + scale (message)
    agg = jnp.zeros((N, h.shape[1]), dtype=h.dtype).at[dst].add(msg)  # scatter-add aggregate
    out = agg + b
    # --- BatchNorm1d (training mode: batch statistics, eps=1e-5) ---
    mean = jnp.mean(out, axis=0)
    var = jnp.var(out, axis=0)
    out = (out - mean) / jnp.sqrt(var + 1e-5)
    out = out * bn_weight + bn_bias
    # --- ReLU ---
    out = jnp.maximum(out, 0.0)
    # --- Residual ---
    return out + residual

if __name__ == "__main__":
    import jax
    _d = setup_inputs()
    print(jax.jit(kernel)(*tuple(_d.values())))

</pallas_src>

<mosaic_0001>
#map = affine_map<(d0, d1) -> (0, 0, 0)>
#map1 = affine_map<(d0, d1) -> (0)>
module attributes {stable_mosaic.version = 14 : i64} {
  func.func @k(%arg0: i32, %arg1: i32, %arg2: memref<2x2560x128xi32, #tpu.memory_space<hbm>>, %arg3: memref<10240xf32, #tpu.memory_space<hbm>>, %arg4: memref<327680xf32, #tpu.memory_space<hbm>>, %arg5: memref<10240xf32, #tpu.memory_space<vmem>>, %arg6: memref<80x128xi32, #tpu.memory_space<vmem>>) attributes {dimension_semantics = [#tpu.dimension_semantics<core_parallel>, #tpu.dimension_semantics<subcore_parallel>], iteration_bounds = array<i64: 2, 16>, scalar_prefetch = 0 : i64, scratch_operands = 2 : i64, tpu.core_type = #tpu.core_type<sc_vector_subcore>, window_params = [{transform_indices = #map}, {transform_indices = #map1}, {transform_indices = #map1}]} {
    %mul3A = arith.constant 2 : i32
    %mul3A_0 = arith.muli %arg1, %mul3A : i32
    %add3A = arith.addi %mul3A_0, %arg0 : i32
    "tpu.region"() ({
      %run_scoped3A_11 = tpu.sem_alloc : memref<!tpu.dma_semaphore, #tpu.memory_space<semaphore_mem>>
      tpu.enqueue_dma source(%arg3 : memref<10240xf32, #tpu.memory_space<hbm>>) target(%arg5 : memref<10240xf32, #tpu.memory_space<vmem>>) target_semaphore(%run_scoped3A_11 : memref<!tpu.dma_semaphore, #tpu.memory_space<semaphore_mem>>)
      tpu.wait_dma2 semaphore(%run_scoped3A_11 : memref<!tpu.dma_semaphore, #tpu.memory_space<semaphore_mem>>) src(%arg3 : memref<10240xf32, #tpu.memory_space<hbm>>) dst(%arg5 : memref<10240xf32, #tpu.memory_space<vmem>>)
      tpu.yield
    }) : () -> ()
    %mul3A_1 = arith.constant 80 : i32
    %mul3A_2 = arith.muli %add3A, %mul3A_1 : i32
    %run_scoped3A = arith.constant 1 : i32
    "tpu.region"() ({
      %run_scoped3A_11 = tpu.sem_alloc : memref<!tpu.dma_semaphore, #tpu.memory_space<semaphore_mem>>
      %dma_start3A = arith.constant 0 : i32
      %dma_start3A_12 = tpu.memref_slice %arg2[%run_scoped3A, %mul3A_2, %dma_start3A] : memref<2x2560x128xi32, #tpu.memory_space<hbm>> -> memref<1x80x128xi32, #tpu.memory_space<hbm>>
      %dma_start3A_13 = tpu.memref_squeeze %dma_start3A_12 : memref<1x80x128xi32, #tpu.memory_space<hbm>> -> memref<80x128xi32, #tpu.memory_space<hbm>>
      %dma_start3A_14 = arith.constant 0 : i32
      %dma_start3A_15 = tpu.memref_slice %arg2[%run_scoped3A, %mul3A_2, %dma_start3A_14] : memref<2x2560x128xi32, #tpu.memory_space<hbm>> -> memref<1x80x128xi32, #tpu.memory_space<hbm>>
      %dma_start3A_16 = tpu.memref_squeeze %dma_start3A_15 : memref<1x80x128xi32, #tpu.memory_space<hbm>> -> memref<80x128xi32, #tpu.memory_space<hbm>>
      tpu.enqueue_dma source(%dma_start3A_16 : memref<80x128xi32, #tpu.memory_space<hbm>>) target(%arg6 : memref<80x128xi32, #tpu.memory_space<vmem>>) target_semaphore(%run_scoped3A_11 : memref<!tpu.dma_semaphore, #tpu.memory_space<semaphore_mem>>)
      %dma_wait3A = arith.constant 0 : i32
      %dma_wait3A_17 = tpu.memref_slice %arg2[%run_scoped3A, %mul3A_2, %dma_wait3A] : memref<2x2560x128xi32, #tpu.memory_space<hbm>> -> memref<1x80x128xi32, #tpu.memory_space<hbm>>
      %dma_wait3A_18 = tpu.memref_squeeze %dma_wait3A_17 : memref<1x80x128xi32, #tpu.memory_space<hbm>> -> memref<80x128xi32, #tpu.memory_space<hbm>>
      %dma_wait3A_19 = arith.constant 0 : i32
      %dma_wait3A_20 = tpu.memref_slice %arg2[%run_scoped3A, %mul3A_2, %dma_wait3A_19] : memref<2x2560x128xi32, #tpu.memory_space<hbm>> -> memref<1x80x128xi32, #tpu.memory_space<hbm>>
      %dma_wait3A_21 = tpu.memref_squeeze %dma_wait3A_20 : memref<1x80x128xi32, #tpu.memory_space<hbm>> -> memref<80x128xi32, #tpu.memory_space<hbm>>
      tpu.wait_dma2 semaphore(%run_scoped3A_11 : memref<!tpu.dma_semaphore, #tpu.memory_space<semaphore_mem>>) src(%dma_wait3A_21 : memref<80x128xi32, #tpu.memory_space<hbm>>) dst(%arg6 : memref<80x128xi32, #tpu.memory_space<vmem>>)
      tpu.yield
    }) : () -> ()
    %broadcast_in_dim3A = arith.constant 1.000000e+00 : f32
    %broadcast_in_dim3A_3 = vector.broadcast %broadcast_in_dim3A : f32 to vector<16xf32>
    %scan3A = arith.constant 0 : i32
    %scan3A_4 = arith.constant 0 : i32
    %scan3A_5 = arith.constant 80 : i32
    %scan3A_6 = arith.addi %scan3A_4, %scan3A_5 : i32
    %scan3A_7 = arith.constant 1 : i32
    scf.for %scan3A_11 = %scan3A_4 to %scan3A_6 step %scan3A_7  : i32 {
      %get3A = arith.index_cast %scan3A_11 : i32 to index
      %get3A_12 = arith.constant 0 : index
      %get3A_13 = tpu.vector_load %arg6[%get3A, %get3A_12] {strides = array<i32>} : memref<80x128xi32, #tpu.memory_space<vmem>>, vector<16xi32>,
      tpu.vector_store_idx %arg5[%get3A_13], %broadcast_in_dim3A_3 {add = true} : memref<10240xf32, #tpu.memory_space<vmem>>[vector<16xi32>], vector<16xf32>,
      %get3A_14 = arith.index_cast %scan3A_11 : i32 to index
      %get3A_15 = arith.constant 16 : index
      %get3A_16 = tpu.vector_load %arg6[%get3A_14, %get3A_15] {strides = array<i32>} : memref<80x128xi32, #tpu.memory_space<vmem>>, vector<16xi32>,
      tpu.vector_store_idx %arg5[%get3A_16], %broadcast_in_dim3A_3 {add = true} : memref<10240xf32, #tpu.memory_space<vmem>>[vector<16xi32>], vector<16xf32>,
      %get3A_17 = arith.index_cast %scan3A_11 : i32 to index
      %get3A_18 = arith.constant 32 : index
      %get3A_19 = tpu.vector_load %arg6[%get3A_17, %get3A_18] {strides = array<i32>} : memref<80x128xi32, #tpu.memory_space<vmem>>, vector<16xi32>,
      tpu.vector_store_idx %arg5[%get3A_19], %broadcast_in_dim3A_3 {add = true} : memref<10240xf32, #tpu.memory_space<vmem>>[vector<16xi32>], vector<16xf32>,
      %get3A_20 = arith.index_cast %scan3A_11 : i32 to index
      %get3A_21 = arith.constant 48 : index
      %get3A_22 = tpu.vector_load %arg6[%get3A_20, %get3A_21] {strides = array<i32>} : memref<80x128xi32, #tpu.memory_space<vmem>>, vector<16xi32>,
      tpu.vector_store_idx %arg5[%get3A_22], %broadcast_in_dim3A_3 {add = true} : memref<10240xf32, #tpu.memory_space<vmem>>[vector<16xi32>], vector<16xf32>,
      %get3A_23 = arith.index_cast %scan3A_11 : i32 to index
      %get3A_24 = arith.constant 64 : index
      %get3A_25 = tpu.vector_load %arg6[%get3A_23, %get3A_24] {strides = array<i32>} : memref<80x128xi32, #tpu.memory_space<vmem>>, vector<16xi32>,
      tpu.vector_store_idx %arg5[%get3A_25], %broadcast_in_dim3A_3 {add = true} : memref<10240xf32, #tpu.memory_space<vmem>>[vector<16xi32>], vector<16xf32>,
      %get3A_26 = arith.index_cast %scan3A_11 : i32 to index
      %get3A_27 = arith.constant 80 : index
      %get3A_28 = tpu.vector_load %arg6[%get3A_26, %get3A_27] {strides = array<i32>} : memref<80x128xi32, #tpu.memory_space<vmem>>, vector<16xi32>,
      tpu.vector_store_idx %arg5[%get3A_28], %broadcast_in_dim3A_3 {add = true} : memref<10240xf32, #tpu.memory_space<vmem>>[vector<16xi32>], vector<16xf32>,
      %get3A_29 = arith.index_cast %scan3A_11 : i32 to index
      %get3A_30 = arith.constant 96 : index
      %get3A_31 = tpu.vector_load %arg6[%get3A_29, %get3A_30] {strides = array<i32>} : memref<80x128xi32, #tpu.memory_space<vmem>>, vector<16xi32>,
      tpu.vector_store_idx %arg5[%get3A_31], %broadcast_in_dim3A_3 {add = true} : memref<10240xf32, #tpu.memory_space<vmem>>[vector<16xi32>], vector<16xf32>,
      %get3A_32 = arith.index_cast %scan3A_11 : i32 to index
      %get3A_33 = arith.constant 112 : index
      %get3A_34 = tpu.vector_load %arg6[%get3A_32, %get3A_33] {strides = array<i32>} : memref<80x128xi32, #tpu.memory_space<vmem>>, vector<16xi32>,
      tpu.vector_store_idx %arg5[%get3A_34], %broadcast_in_dim3A_3 {add = true} : memref<10240xf32, #tpu.memory_space<vmem>>[vector<16xi32>], vector<16xf32>,
    }
    %scan3A_8 = arith.constant 80 : i32
    %mul3A_9 = arith.constant 10240 : i32
    %mul3A_10 = arith.muli %add3A, %mul3A_9 : i32
    "tpu.region"() ({
      %run_scoped3A_11 = tpu.sem_alloc : memref<!tpu.dma_semaphore, #tpu.memory_space<semaphore_mem>>
      %dma_start3A = tpu.memref_slice %arg4[%mul3A_10] : memref<327680xf32, #tpu.memory_space<hbm>> -> memref<10240xf32, #tpu.memory_space<hbm>>
      %dma_start3A_12 = tpu.memref_slice %arg4[%mul3A_10] : memref<327680xf32, #tpu.memory_space<hbm>> -> memref<10240xf32, #tpu.memory_space<hbm>>
      tpu.enqueue_dma source(%arg5 : memref<10240xf32, #tpu.memory_space<vmem>>) target(%dma_start3A_12 : memref<10240xf32, #tpu.memory_space<hbm>>) target_semaphore(%run_scoped3A_11 : memref<!tpu.dma_semaphore, #tpu.memory_space<semaphore_mem>>)
      %dma_wait3A = tpu.memref_slice %arg4[%mul3A_10] : memref<327680xf32, #tpu.memory_space<hbm>> -> memref<10240xf32, #tpu.memory_space<hbm>>
      %dma_wait3A_13 = tpu.memref_slice %arg4[%mul3A_10] : memref<327680xf32, #tpu.memory_space<hbm>> -> memref<10240xf32, #tpu.memory_space<hbm>>
      tpu.wait_dma2 semaphore(%run_scoped3A_11 : memref<!tpu.dma_semaphore, #tpu.memory_space<semaphore_mem>>) src(%arg5 : memref<10240xf32, #tpu.memory_space<vmem>>) dst(%dma_wait3A_13 : memref<10240xf32, #tpu.memory_space<hbm>>)
      tpu.yield
    }) : () -> ()
    return
  }
}

#map = affine_map<(d0, d1) -> (0, 0)>
#map1 = affine_map<(d0, d1) -> (0, 0, 0)>
module attributes {stable_mosaic.version = 14 : i64} {
  func.func @k(%arg0: i32, %arg1: i32, %arg2: memref<10000x128xf32, #tpu.memory_space<hbm>>, %arg3: memref<2x2560x128xi32, #tpu.memory_space<hbm>>, %arg4: memref<128x128xf32, #tpu.memory_space<hbm>>, %arg5: memref<32x640x128xf32, #tpu.memory_space<hbm>>, %arg6: memref<10240x128xf32, #tpu.memory_space<vmem_shared>>, %arg7: memref<40x128xi32, #tpu.memory_space<vmem>>, %arg8: memref<40x128xi32, #tpu.memory_space<vmem>>, %arg9: memref<128x128xf32, #tpu.memory_space<vmem>>, %arg10: memref<128x128xf32, #tpu.memory_space<vmem>>, %arg11: memref<!tpu.dma_semaphore, #tpu.memory_space<semaphore_mem>>, %arg12: memref<!tpu.dma_semaphore, #tpu.memory_space<semaphore_mem>>) attributes {dimension_semantics = [#tpu.dimension_semantics<core_parallel>, #tpu.dimension_semantics<subcore_parallel>], iteration_bounds = array<i64: 2, 16>, scalar_prefetch = 0 : i64, scratch_operands = 7 : i64, tpu.core_type = #tpu.core_type<sc_vector_subcore>, window_params = [{transform_indices = #map}, {transform_indices = #map1}, {transform_indices = #map}, {transform_indices = #map1}]} {
    %mul3A = arith.constant 2 : i32
    %mul3A_0 = arith.muli %arg1, %mul3A : i32
    %add3A = arith.addi %mul3A_0, %arg0 : i32
    %mul3A_1 = arith.constant 640 : i32
    %mul3A_2 = arith.muli %arg1, %mul3A_1 : i32
    %add3A_3 = arith.constant 0 : i32
    %add3A_4 = arith.addi %mul3A_2, %add3A_3 : i32
    "tpu.region"() ({
      %run_scoped3A_66 = tpu.sem_alloc : memref<!tpu.dma_semaphore, #tpu.memory_space<semaphore_mem>>
      %dma_start3A_67 = arith.constant 0 : i32
      %dma_start3A_68 = tpu.memref_slice %arg6[%add3A_4, %dma_start3A_67] : memref<10240x128xf32, #tpu.memory_space<vmem_shared>> -> memref<128x128xf32, #tpu.memory_space<vmem_shared>>
      tpu.enqueue_dma source(%arg4 : memref<128x128xf32, #tpu.memory_space<hbm>>) target(%dma_start3A_68 : memref<128x128xf32, #tpu.memory_space<vmem_shared>>) target_semaphore(%run_scoped3A_66 : memref<!tpu.dma_semaphore, #tpu.memory_space<semaphore_mem>>)
      %dma_wait3A = arith.constant 0 : i32
      %dma_wait3A_69 = tpu.memref_slice %arg6[%add3A_4, %dma_wait3A] : memref<10240x128xf32, #tpu.memory_space<vmem_shared>> -> memref<128x128xf32, #tpu.memory_space<vmem_shared>>
      tpu.wait_dma2 semaphore(%run_scoped3A_66 : memref<!tpu.dma_semaphore, #tpu.memory_space<semaphore_mem>>) src(%arg4 : memref<128x128xf32, #tpu.memory_space<hbm>>) dst(%dma_wait3A_69 : memref<128x128xf32, #tpu.memory_space<vmem_shared>>)
      tpu.yield
    }) : () -> ()
    %add3A_5 = arith.constant 128 : i32
    %add3A_6 = arith.addi %mul3A_2, %add3A_5 : i32
    "tpu.region"() ({
      %run_scoped3A_66 = tpu.sem_alloc : memref<!tpu.dma_semaphore, #tpu.memory_space<semaphore_mem>>
      %dma_start3A_67 = arith.constant 0 : i32
      %dma_start3A_68 = tpu.memref_slice %arg6[%add3A_6, %dma_start3A_67] : memref<10240x128xf32, #tpu.memory_space<vmem_shared>> -> memref<128x128xf32, #tpu.memory_space<vmem_shared>>
      tpu.enqueue_dma source(%arg4 : memref<128x128xf32, #tpu.memory_space<hbm>>) target(%dma_start3A_68 : memref<128x128xf32, #tpu.memory_space<vmem_shared>>) target_semaphore(%run_scoped3A_66 : memref<!tpu.dma_semaphore, #tpu.memory_space<semaphore_mem>>)
      %dma_wait3A = arith.constant 0 : i32
      %dma_wait3A_69 = tpu.memref_slice %arg6[%add3A_6, %dma_wait3A] : memref<10240x128xf32, #tpu.memory_space<vmem_shared>> -> memref<128x128xf32, #tpu.memory_space<vmem_shared>>
      tpu.wait_dma2 semaphore(%run_scoped3A_66 : memref<!tpu.dma_semaphore, #tpu.memory_space<semaphore_mem>>) src(%arg4 : memref<128x128xf32, #tpu.memory_space<hbm>>) dst(%dma_wait3A_69 : memref<128x128xf32, #tpu.memory_space<vmem_shared>>)
      tpu.yield
    }) : () -> ()
    %add3A_7 = arith.constant 256 : i32
    %add3A_8 = arith.addi %mul3A_2, %add3A_7 : i32
    "tpu.region"() ({
      %run_scoped3A_66 = tpu.sem_alloc : memref<!tpu.dma_semaphore, #tpu.memory_space<semaphore_mem>>
      %dma_start3A_67 = arith.constant 0 : i32
      %dma_start3A_68 = tpu.memref_slice %arg6[%add3A_8, %dma_start3A_67] : memref<10240x128xf32, #tpu.memory_space<vmem_shared>> -> memref<128x128xf32, #tpu.memory_space<vmem_shared>>
      tpu.enqueue_dma source(%arg4 : memref<128x128xf32, #tpu.memory_space<hbm>>) target(%dma_start3A_68 : memref<128x128xf32, #tpu.memory_space<vmem_shared>>) target_semaphore(%run_scoped3A_66 : memref<!tpu.dma_semaphore, #tpu.memory_space<semaphore_mem>>)
      %dma_wait3A = arith.constant 0 : i32
      %dma_wait3A_69 = tpu.memref_slice %arg6[%add3A_8, %dma_wait3A] : memref<10240x128xf32, #tpu.memory_space<vmem_shared>> -> memref<128x128xf32, #tpu.memory_space<vmem_shared>>
      tpu.wait_dma2 semaphore(%run_scoped3A_66 : memref<!tpu.dma_semaphore, #tpu.memory_space<semaphore_mem>>) src(%arg4 : memref<128x128xf32, #tpu.memory_space<hbm>>) dst(%dma_wait3A_69 : memref<128x128xf32, #tpu.memory_space<vmem_shared>>)
      tpu.yield
    }) : () -> ()
    %add3A_9 = arith.constant 384 : i32
    %add3A_10 = arith.addi %mul3A_2, %add3A_9 : i32
    "tpu.region"() ({
      %run_scoped3A_66 = tpu.sem_alloc : memref<!tpu.dma_semaphore, #tpu.memory_space<semaphore_mem>>
      %dma_start3A_67 = arith.constant 0 : i32
      %dma_start3A_68 = tpu.memref_slice %arg6[%add3A_10, %dma_start3A_67] : memref<10240x128xf32, #tpu.memory_space<vmem_shared>> -> memref<128x128xf32, #tpu.memory_space<vmem_shared>>
      tpu.enqueue_dma source(%arg4 : memref<128x128xf32, #tpu.memory_space<hbm>>) target(%dma_start3A_68 : memref<128x128xf32, #tpu.memory_space<vmem_shared>>) target_semaphore(%run_scoped3A_66 : memref<!tpu.dma_semaphore, #tpu.memory_space<semaphore_mem>>)
      %dma_wait3A = arith.constant 0 : i32
      %dma_wait3A_69 = tpu.memref_slice %arg6[%add3A_10, %dma_wait3A] : memref<10240x128xf32, #tpu.memory_space<vmem_shared>> -> memref<128x128xf32, #tpu.memory_space<vmem_shared>>
      tpu.wait_dma2 semaphore(%run_scoped3A_66 : memref<!tpu.dma_semaphore, #tpu.memory_space<semaphore_mem>>) src(%arg4 : memref<128x128xf32, #tpu.memory_space<hbm>>) dst(%dma_wait3A_69 : memref<128x128xf32, #tpu.memory_space<vmem_shared>>)
      tpu.yield
    }) : () -> ()
    %add3A_11 = arith.constant 512 : i32
    %add3A_12 = arith.addi %mul3A_2, %add3A_11 : i32
    "tpu.region"() ({
      %run_scoped3A_66 = tpu.sem_alloc : memref<!tpu.dma_semaphore, #tpu.memory_space<semaphore_mem>>
      %dma_start3A_67 = arith.constant 0 : i32
      %dma_start3A_68 = tpu.memref_slice %arg6[%add3A_12, %dma_start3A_67] : memref<10240x128xf32, #tpu.memory_space<vmem_shared>> -> memref<128x128xf32, #tpu.memory_space<vmem_shared>>
      tpu.enqueue_dma source(%arg4 : memref<128x128xf32, #tpu.memory_space<hbm>>) target(%dma_start3A_68 : memref<128x128xf32, #tpu.memory_space<vmem_shared>>) target_semaphore(%run_scoped3A_66 : memref<!tpu.dma_semaphore, #tpu.memory_space<semaphore_mem>>)
      %dma_wait3A = arith.constant 0 : i32
      %dma_wait3A_69 = tpu.memref_slice %arg6[%add3A_12, %dma_wait3A] : memref<10240x128xf32, #tpu.memory_space<vmem_shared>> -> memref<128x128xf32, #tpu.memory_space<vmem_shared>>
      tpu.wait_dma2 semaphore(%run_scoped3A_66 : memref<!tpu.dma_semaphore, #tpu.memory_space<semaphore_mem>>) src(%arg4 : memref<128x128xf32, #tpu.memory_space<hbm>>) dst(%dma_wait3A_69 : memref<128x128xf32, #tpu.memory_space<vmem_shared>>)
      tpu.yield
    }) : () -> ()
    %barrier3A = arith.constant 0 : index
    tpu.barrier barrier_id(%barrier3A)
    %mul3A_13 = arith.constant 80 : i32
    %mul3A_14 = arith.muli %add3A, %mul3A_13 : i32
    %add3A_15 = arith.constant 0 : i32
    %add3A_16 = arith.addi %mul3A_14, %add3A_15 : i32
    %run_scoped3A = arith.constant 0 : i32
    "tpu.region"() ({
      %run_scoped3A_66 = tpu.sem_alloc : memref<!tpu.dma_semaphore, #tpu.memory_space<semaphore_mem>>
      %dma_start3A_67 = arith.constant 0 : i32
      %dma_start3A_68 = tpu.memref_slice %arg3[%run_scoped3A, %add3A_16, %dma_start3A_67] : memref<2x2560x128xi32, #tpu.memory_space<hbm>> -> memref<1x40x128xi32, #tpu.memory_space<hbm>>
      %dma_start3A_69 = tpu.memref_squeeze %dma_start3A_68 : memref<1x40x128xi32, #tpu.memory_space<hbm>> -> memref<40x128xi32, #tpu.memory_space<hbm>>
      %dma_start3A_70 = arith.constant 0 : i32
      %dma_start3A_71 = tpu.memref_slice %arg3[%run_scoped3A, %add3A_16, %dma_start3A_70] : memref<2x2560x128xi32, #tpu.memory_space<hbm>> -> memref<1x40x128xi32, #tpu.memory_space<hbm>>
      %dma_start3A_72 = tpu.memref_squeeze %dma_start3A_71 : memref<1x40x128xi32, #tpu.memory_space<hbm>> -> memref<40x128xi32, #tpu.memory_space<hbm>>
      tpu.enqueue_dma source(%dma_start3A_72 : memref<40x128xi32, #tpu.memory_space<hbm>>) target(%arg7 : memref<40x128xi32, #tpu.memory_space<vmem>>) target_semaphore(%run_scoped3A_66 : memref<!tpu.dma_semaphore, #tpu.memory_space<semaphore_mem>>)
      %dma_wait3A = arith.constant 0 : i32
      %dma_wait3A_73 = tpu.memref_slice %arg3[%run_scoped3A, %add3A_16, %dma_wait3A] : memref<2x2560x128xi32, #tpu.memory_space<hbm>> -> memref<1x40x128xi32, #tpu.memory_space<hbm>>
      %dma_wait3A_74 = tpu.memref_squeeze %dma_wait3A_73 : memref<1x40x128xi32, #tpu.memory_space<hbm>> -> memref<40x128xi32, #tpu.memory_space<hbm>>
      %dma_wait3A_75 = arith.constant 0 : i32
      %dma_wait3A_76 = tpu.memref_slice %arg3[%run_scoped3A, %add3A_16, %dma_wait3A_75] : memref<2x2560x128xi32, #tpu.memory_space<hbm>> -> memref<1x40x128xi32, #tpu.memory_space<hbm>>
      %dma_wait3A_77 = tpu.memref_squeeze %dma_wait3A_76 : memref<1x40x128xi32, #tpu.memory_space<hbm>> -> memref<40x128xi32, #tpu.memory_space<hbm>>
      tpu.wait_dma2 semaphore(%run_scoped3A_66 : memref<!tpu.dma_semaphore, #tpu.memory_space<semaphore_mem>>) src(%dma_wait3A_77 : memref<40x128xi32, #tpu.memory_space<hbm>>) dst(%arg7 : memref<40x128xi32, #tpu.memory_space<vmem>>)
      tpu.yield
    }) : () -> ()
    %run_scoped3A_17 = arith.constant 1 : i32
    "tpu.region"() ({
      %run_scoped3A_66 = tpu.sem_alloc : memref<!tpu.dma_semaphore, #tpu.memory_space<semaphore_mem>>
      %dma_start3A_67 = arith.constant 0 : i32
      %dma_start3A_68 = tpu.memref_slice %arg3[%run_scoped3A_17, %add3A_16, %dma_start3A_67] : memref<2x2560x128xi32, #tpu.memory_space<hbm>> -> memref<1x40x128xi32, #tpu.memory_space<hbm>>
      %dma_start3A_69 = tpu.memref_squeeze %dma_start3A_68 : memref<1x40x128xi32, #tpu.memory_space<hbm>> -> memref<40x128xi32, #tpu.memory_space<hbm>>
      %dma_start3A_70 = arith.constant 0 : i32
      %dma_start3A_71 = tpu.memref_slice %arg3[%run_scoped3A_17, %add3A_16, %dma_start3A_70] : memref<2x2560x128xi32, #tpu.memory_space<hbm>> -> memref<1x40x128xi32, #tpu.memory_space<hbm>>
      %dma_start3A_72 = tpu.memref_squeeze %dma_start3A_71 : memref<1x40x128xi32, #tpu.memory_space<hbm>> -> memref<40x128xi32, #tpu.memory_space<hbm>>
      tpu.enqueue_dma source(%dma_start3A_72 : memref<40x128xi32, #tpu.memory_space<hbm>>) target(%arg8 : memref<40x128xi32, #tpu.memory_space<vmem>>) target_semaphore(%run_scoped3A_66 : memref<!tpu.dma_semaphore, #tpu.memory_space<semaphore_mem>>)
      %dma_wait3A = arith.constant 0 : i32
      %dma_wait3A_73 = tpu.memref_slice %arg3[%run_scoped3A_17, %add3A_16, %dma_wait3A] : memref<2x2560x128xi32, #tpu.memory_space<hbm>> -> memref<1x40x128xi32, #tpu.memory_space<hbm>>
      %dma_wait3A_74 = tpu.memref_squeeze %dma_wait3A_73 : memref<1x40x128xi32, #tpu.memory_space<hbm>> -> memref<40x128xi32, #tpu.memory_space<hbm>>
      %dma_wait3A_75 = arith.constant 0 : i32
      %dma_wait3A_76 = tpu.memref_slice %arg3[%run_scoped3A_17, %add3A_16, %dma_wait3A_75] : memref<2x2560x128xi32, #tpu.memory_space<hbm>> -> memref<1x40x128xi32, #tpu.memory_space<hbm>>
      %dma_wait3A_77 = tpu.memref_squeeze %dma_wait3A_76 : memref<1x40x128xi32, #tpu.memory_space<hbm>> -> memref<40x128xi32, #tpu.memory_space<hbm>>
      tpu.wait_dma2 semaphore(%run_scoped3A_66 : memref<!tpu.dma_semaphore, #tpu.memory_space<semaphore_mem>>) src(%dma_wait3A_77 : memref<40x128xi32, #tpu.memory_space<hbm>>) dst(%arg8 : memref<40x128xi32, #tpu.memory_space<vmem>>)
      tpu.yield
    }) : () -> ()
    %dma_start3A = arith.constant 0 : i32
    %dma_start3A_18 = arith.constant 0 : i32
    %dma_start3A_19 = tpu.memref_slice %arg7[%dma_start3A, %dma_start3A_18] : memref<40x128xi32, #tpu.memory_space<vmem>> -> memref<1x128xi32, #tpu.memory_space<vmem>>
    %dma_start3A_20 = tpu.memref_squeeze %dma_start3A_19 : memref<1x128xi32, #tpu.memory_space<vmem>> -> memref<128xi32, #tpu.memory_space<vmem>>
    %dma_start3A_21 = arith.constant 0 : i32
    %dma_start3A_22 = arith.constant 0 : i32
    %dma_start3A_23 = tpu.memref_slice %arg2[%dma_start3A_21, %dma_start3A_22] : memref<10000x128xf32, #tpu.memory_space<hbm>> -> memref<10000x128xf32, #tpu.memory_space<hbm>>
    tpu.enqueue_indirect_dma source(%dma_start3A_23 : memref<10000x128xf32, #tpu.memory_space<hbm>>) target(%arg9 : memref<128x128xf32, #tpu.memory_space<vmem>>) offsets(%dma_start3A_20 : memref<128xi32, #tpu.memory_space<vmem>>) semaphore(%arg11 : memref<!tpu.dma_semaphore, #tpu.memory_space<semaphore_mem>>)
    %dma_start3A_24 = arith.constant 1 : i32
    %dma_start3A_25 = arith.constant 0 : i32
    %dma_start3A_26 = tpu.memref_slice %arg7[%dma_start3A_24, %dma_start3A_25] : memref<40x128xi32, #tpu.memory_space<vmem>> -> memref<1x128xi32, #tpu.memory_space<vmem>>
    %dma_start3A_27 = tpu.memref_squeeze %dma_start3A_26 : memref<1x128xi32, #tpu.memory_space<vmem>> -> memref<128xi32, #tpu.memory_space<vmem>>
    %dma_start3A_28 = arith.constant 0 : i32
    %dma_start3A_29 = arith.constant 0 : i32
    %dma_start3A_30 = tpu.memref_slice %arg2[%dma_start3A_28, %dma_start3A_29] : memref<10000x128xf32, #tpu.memory_space<hbm>> -> memref<10000x128xf32, #tpu.memory_space<hbm>>
    tpu.enqueue_indirect_dma source(%dma_start3A_30 : memref<10000x128xf32, #tpu.memory_space<hbm>>) target(%arg10 : memref<128x128xf32, #tpu.memory_space<vmem>>) offsets(%dma_start3A_27 : memref<128xi32, #tpu.memory_space<vmem>>) semaphore(%arg12 : memref<!tpu.dma_semaphore, #tpu.memory_space<semaphore_mem>>)
    %scan3A = arith.constant 0 : i32
    %scan3A_31 = arith.constant 0 : i32
    %scan3A_32 = arith.constant 20 : i32
    %scan3A_33 = arith.addi %scan3A_31, %scan3A_32 : i32
    %scan3A_34 = arith.constant 1 : i32
    scf.for %scan3A_66 = %scan3A_31 to %scan3A_33 step %scan3A_34  : i32 {
      %mul3A_67 = arith.constant 2 : i32
      %mul3A_68 = arith.muli %mul3A_67, %scan3A_66 : i32
      %add3A_69 = arith.constant 1 : i32
      %add3A_70 = arith.addi %mul3A_68, %add3A_69 : i32
      %dma_wait3A = arith.constant 0 : i32
      %dma_wait3A_71 = tpu.memref_slice %arg7[%mul3A_68, %dma_wait3A] : memref<40x128xi32, #tpu.memory_space<vmem>> -> memref<1x128xi32, #tpu.memory_space<vmem>>
      %dma_wait3A_72 = tpu.memref_squeeze %dma_wait3A_71 : memref<1x128xi32, #tpu.memory_space<vmem>> -> memref<128xi32, #tpu.memory_space<vmem>>
      %dma_wait3A_73 = arith.constant 0 : i32
      %dma_wait3A_74 = arith.constant 0 : i32
      %dma_wait3A_75 = tpu.memref_slice %arg2[%dma_wait3A_73, %dma_wait3A_74] : memref<10000x128xf32, #tpu.memory_space<hbm>> -> memref<10000x128xf32, #tpu.memory_space<hbm>>
      tpu.wait_indirect_dma semaphore(%arg11 : memref<!tpu.dma_semaphore, #tpu.memory_space<semaphore_mem>>) src(%dma_wait3A_75 : memref<10000x128xf32, #tpu.memory_space<hbm>>) dst(%arg9 : memref<128x128xf32, #tpu.memory_space<vmem>>)
      "tpu.region"() ({
        %run_scoped3A_93 = tpu.sem_alloc : memref<!tpu.dma_semaphore, #tpu.memory_space<semaphore_mem>>
        %dma_start3A_94 = arith.constant 0 : i32
        %dma_start3A_95 = tpu.memref_slice %arg8[%mul3A_68, %dma_start3A_94] : memref<40x128xi32, #tpu.memory_space<vmem>> -> memref<1x128xi32, #tpu.memory_space<vmem>>
        %dma_start3A_96 = tpu.memref_squeeze %dma_start3A_95 : memref<1x128xi32, #tpu.memory_space<vmem>> -> memref<128xi32, #tpu.memory_space<vmem>>
        %dma_start3A_97 = arith.constant 0 : i32
        %dma_start3A_98 = arith.constant 0 : i32
        %dma_start3A_99 = tpu.memref_slice %arg6[%dma_start3A_97, %dma_start3A_98] : memref<10240x128xf32, #tpu.memory_space<vmem_shared>> -> memref<10240x128xf32, #tpu.memory_space<vmem_shared>>
        tpu.enqueue_indirect_dma source(%arg9 : memref<128x128xf32, #tpu.memory_space<vmem>>) target(%dma_start3A_99 : memref<10240x128xf32, #tpu.memory_space<vmem_shared>>) offsets(%dma_start3A_96 : memref<128xi32, #tpu.memory_space<vmem>>) semaphore(%run_scoped3A_93 : memref<!tpu.dma_semaphore, #tpu.memory_space<semaphore_mem>>) {add = true}
        %dma_wait3A_100 = arith.constant 0 : i32
        %dma_wait3A_101 = tpu.memref_slice %arg8[%mul3A_68, %dma_wait3A_100] : memref<40x128xi32, #tpu.memory_space<vmem>> -> memref<1x128xi32, #tpu.memory_space<vmem>>
        %dma_wait3A_102 = tpu.memref_squeeze %dma_wait3A_101 : memref<1x128xi32, #tpu.memory_space<vmem>> -> memref<128xi32, #tpu.memory_space<vmem>>
        %dma_wait3A_103 = arith.constant 0 : i32
        %dma_wait3A_104 = arith.constant 0 : i32
        %dma_wait3A_105 = tpu.memref_slice %arg6[%dma_wait3A_103, %dma_wait3A_104] : memref<10240x128xf32, #tpu.memory_space<vmem_shared>> -> memref<10240x128xf32, #tpu.memory_space<vmem_shared>>
        tpu.wait_indirect_dma semaphore(%run_scoped3A_93 : memref<!tpu.dma_semaphore, #tpu.memory_space<semaphore_mem>>) src(%arg9 : memref<128x128xf32, #tpu.memory_space<vmem>>) dst(%dma_wait3A_105 : memref<10240x128xf32, #tpu.memory_space<vmem_shared>>)
        tpu.yield
      }) : () -> ()
      %add3A_76 = arith.constant 2 : i32
      %add3A_77 = arith.addi %mul3A_68, %add3A_76 : i32
      %lt3A = arith.constant 40 : i32
      %lt3A_78 = arith.cmpi slt, %add3A_77, %lt3A : i32
      %convert_element_type3A = arith.extui %lt3A_78 : i1 to i32
      %cond3A = arith.constant 0 : i32
      %cond3A_79 = arith.cmpi ne, %convert_element_type3A, %cond3A : i32
      scf.if %cond3A_79 {
        %add3A_93 = arith.constant 2 : i32
        %add3A_94 = arith.addi %mul3A_68, %add3A_93 : i32
        %dma_start3A_95 = arith.constant 0 : i32
        %dma_start3A_96 = tpu.memref_slice %arg7[%add3A_94, %dma_start3A_95] : memref<40x128xi32, #tpu.memory_space<vmem>> -> memref<1x128xi32, #tpu.memory_space<vmem>>
        %dma_start3A_97 = tpu.memref_squeeze %dma_start3A_96 : memref<1x128xi32, #tpu.memory_space<vmem>> -> memref<128xi32, #tpu.memory_space<vmem>>
        %dma_start3A_98 = arith.constant 0 : i32
        %dma_start3A_99 = arith.constant 0 : i32
        %dma_start3A_100 = tpu.memref_slice %arg2[%dma_start3A_98, %dma_start3A_99] : memref<10000x128xf32, #tpu.memory_space<hbm>> -> memref<10000x128xf32, #tpu.memory_space<hbm>>
        tpu.enqueue_indirect_dma source(%dma_start3A_100 : memref<10000x128xf32, #tpu.memory_space<hbm>>) target(%arg9 : memref<128x128xf32, #tpu.memory_space<vmem>>) offsets(%dma_start3A_97 : memref<128xi32, #tpu.memory_space<vmem>>) semaphore(%arg11 : memref<!tpu.dma_semaphore, #tpu.memory_space<semaphore_mem>>)
      } else {
      }
      %dma_wait3A_80 = arith.constant 0 : i32
      %dma_wait3A_81 = tpu.memref_slice %arg7[%add3A_70, %dma_wait3A_80] : memref<40x128xi32, #tpu.memory_space<vmem>> -> memref<1x128xi32, #tpu.memory_space<vmem>>
      %dma_wait3A_82 = tpu.memref_squeeze %dma_wait3A_81 : memref<1x128xi32, #tpu.memory_space<vmem>> -> memref<128xi32, #tpu.memory_space<vmem>>
      %dma_wait3A_83 = arith.constant 0 : i32
      %dma_wait3A_84 = arith.constant 0 : i32
      %dma_wait3A_85 = tpu.memref_slice %arg2[%dma_wait3A_83, %dma_wait3A_84] : memref<10000x128xf32, #tpu.memory_space<hbm>> -> memref<10000x128xf32, #tpu.memory_space<hbm>>
      tpu.wait_indirect_dma semaphore(%arg12 : memref<!tpu.dma_semaphore, #tpu.memory_space<semaphore_mem>>) src(%dma_wait3A_85 : memref<10000x128xf32, #tpu.memory_space<hbm>>) dst(%arg10 : memref<128x128xf32, #tpu.memory_space<vmem>>)
      "tpu.region"() ({
        %run_scoped3A_93 = tpu.sem_alloc : memref<!tpu.dma_semaphore, #tpu.memory_space<semaphore_mem>>
        %dma_start3A_94 = arith.constant 0 : i32
        %dma_start3A_95 = tpu.memref_slice %arg8[%add3A_70, %dma_start3A_94] : memref<40x128xi32, #tpu.memory_space<vmem>> -> memref<1x128xi32, #tpu.memory_space<vmem>>
        %dma_start3A_96 = tpu.memref_squeeze %dma_start3A_95 : memref<1x128xi32, #tpu.memory_space<vmem>> -> memref<128xi32, #tpu.memory_space<vmem>>
        %dma_start3A_97 = arith.constant 0 : i32
        %dma_start3A_98 = arith.constant 0 : i32
        %dma_start3A_99 = tpu.memref_slice %arg6[%dma_start3A_97, %dma_start3A_98] : memref<10240x128xf32, #tpu.memory_space<vmem_shared>> -> memref<10240x128xf32, #tpu.memory_space<vmem_shared>>
        tpu.enqueue_indirect_dma source(%arg10 : memref<128x128xf32, #tpu.memory_space<vmem>>) target(%dma_start3A_99 : memref<10240x128xf32, #tpu.memory_space<vmem_shared>>) offsets(%dma_start3A_96 : memref<128xi32, #tpu.memory_space<vmem>>) semaphore(%run_scoped3A_93 : memref<!tpu.dma_semaphore, #tpu.memory_space<semaphore_mem>>) {add = true}
        %dma_wait3A_100 = arith.constant 0 : i32
        %dma_wait3A_101 = tpu.memref_slice %arg8[%add3A_70, %dma_wait3A_100] : memref<40x128xi32, #tpu.memory_space<vmem>> -> memref<1x128xi32, #tpu.memory_space<vmem>>
        %dma_wait3A_102 = tpu.memref_squeeze %dma_wait3A_101 : memref<1x128xi32, #tpu.memory_space<vmem>> -> memref<128xi32, #tpu.memory_space<vmem>>
        %dma_wait3A_103 = arith.constant 0 : i32
        %dma_wait3A_104 = arith.constant 0 : i32
        %dma_wait3A_105 = tpu.memref_slice %arg6[%dma_wait3A_103, %dma_wait3A_104] : memref<10240x128xf32, #tpu.memory_space<vmem_shared>> -> memref<10240x128xf32, #tpu.memory_space<vmem_shared>>
        tpu.wait_indirect_dma semaphore(%run_scoped3A_93 : memref<!tpu.dma_semaphore, #tpu.memory_space<semaphore_mem>>) src(%arg10 : memref<128x128xf32, #tpu.memory_space<vmem>>) dst(%dma_wait3A_105 : memref<10240x128xf32, #tpu.memory_space<vmem_shared>>)
        tpu.yield
      }) : () -> ()
      %add3A_86 = arith.constant 2 : i32
      %add3A_87 = arith.addi %add3A_70, %add3A_86 : i32
      %lt3A_88 = arith.constant 40 : i32
      %lt3A_89 = arith.cmpi slt, %add3A_87, %lt3A_88 : i32
      %convert_element_type3A_90 = arith.extui %lt3A_89 : i1 to i32
      %cond3A_91 = arith.constant 0 : i32
      %cond3A_92 = arith.cmpi ne, %convert_element_type3A_90, %cond3A_91 : i32
      scf.if %cond3A_92 {
        %add3A_93 = arith.constant 2 : i32
        %add3A_94 = arith.addi %add3A_70, %add3A_93 : i32
        %dma_start3A_95 = arith.constant 0 : i32
        %dma_start3A_96 = tpu.memref_slice %arg7[%add3A_94, %dma_start3A_95] : memref<40x128xi32, #tpu.memory_space<vmem>> -> memref<1x128xi32, #tpu.memory_space<vmem>>
        %dma_start3A_97 = tpu.memref_squeeze %dma_start3A_96 : memref<1x128xi32, #tpu.memory_space<vmem>> -> memref<128xi32, #tpu.memory_space<vmem>>
        %dma_start3A_98 = arith.constant 0 : i32
        %dma_start3A_99 = arith.constant 0 : i32
        %dma_start3A_100 = tpu.memref_slice %arg2[%dma_start3A_98, %dma_start3A_99] : memref<10000x128xf32, #tpu.memory_space<hbm>> -> memref<10000x128xf32, #tpu.memory_space<hbm>>
        tpu.enqueue_indirect_dma source(%dma_start3A_100 : memref<10000x128xf32, #tpu.memory_space<hbm>>) target(%arg10 : memref<128x128xf32, #tpu.memory_space<vmem>>) offsets(%dma_start3A_97 : memref<128xi32, #tpu.memory_space<vmem>>) semaphore(%arg12 : memref<!tpu.dma_semaphore, #tpu.memory_space<semaphore_mem>>)
      } else {
      }
    }
    %scan3A_35 = arith.constant 20 : i32
    %mul3A_36 = arith.constant 80 : i32
    %mul3A_37 = arith.muli %add3A, %mul3A_36 : i32
    %add3A_38 = arith.constant 40 : i32
    %add3A_39 = arith.addi %mul3A_37, %add3A_38 : i32
    %run_scoped3A_40 = arith.constant 0 : i32
    "tpu.region"() ({
      %run_scoped3A_66 = tpu.sem_alloc : memref<!tpu.dma_semaphore, #tpu.memory_space<semaphore_mem>>
      %dma_start3A_67 = arith.constant 0 : i32
      %dma_start3A_68 = tpu.memref_slice %arg3[%run_scoped3A_40, %add3A_39, %dma_start3A_67] : memref<2x2560x128xi32, #tpu.memory_space<hbm>> -> memref<1x40x128xi32, #tpu.memory_space<hbm>>
      %dma_start3A_69 = tpu.memref_squeeze %dma_start3A_68 : memref<1x40x128xi32, #tpu.memory_space<hbm>> -> memref<40x128xi32, #tpu.memory_space<hbm>>
      %dma_start3A_70 = arith.constant 0 : i32
      %dma_start3A_71 = tpu.memref_slice %arg3[%run_scoped3A_40, %add3A_39, %dma_start3A_70] : memref<2x2560x128xi32, #tpu.memory_space<hbm>> -> memref<1x40x128xi32, #tpu.memory_space<hbm>>
      %dma_start3A_72 = tpu.memref_squeeze %dma_start3A_71 : memref<1x40x128xi32, #tpu.memory_space<hbm>> -> memref<40x128xi32, #tpu.memory_space<hbm>>
      tpu.enqueue_dma source(%dma_start3A_72 : memref<40x128xi32, #tpu.memory_space<hbm>>) target(%arg7 : memref<40x128xi32, #tpu.memory_space<vmem>>) target_semaphore(%run_scoped3A_66 : memref<!tpu.dma_semaphore, #tpu.memory_space<semaphore_mem>>)
      %dma_wait3A = arith.constant 0 : i32
      %dma_wait3A_73 = tpu.memref_slice %arg3[%run_scoped3A_40, %add3A_39, %dma_wait3A] : memref<2x2560x128xi32, #tpu.memory_space<hbm>> -> memref<1x40x128xi32, #tpu.memory_space<hbm>>
      %dma_wait3A_74 = tpu.memref_squeeze %dma_wait3A_73 : memref<1x40x128xi32, #tpu.memory_space<hbm>> -> memref<40x128xi32, #tpu.memory_space<hbm>>
      %dma_wait3A_75 = arith.constant 0 : i32
      %dma_wait3A_76 = tpu.memref_slice %arg3[%run_scoped3A_40, %add3A_39, %dma_wait3A_75] : memref<2x2560x128xi32, #tpu.memory_space<hbm>> -> memref<1x40x128xi32, #tpu.memory_space<hbm>>
      %dma_wait3A_77 = tpu.memref_squeeze %dma_wait3A_76 : memref<1x40x128xi32, #tpu.memory_space<hbm>> -> memref<40x128xi32, #tpu.memory_space<hbm>>
      tpu.wait_dma2 semaphore(%run_scoped3A_66 : memref<!tpu.dma_semaphore, #tpu.memory_space<semaphore_mem>>) src(%dma_wait3A_77 : memref<40x128xi32, #tpu.memory_space<hbm>>) dst(%arg7 : memref<40x128xi32, #tpu.memory_space<vmem>>)
      tpu.yield
    }) : () -> ()
    %run_scoped3A_41 = arith.constant 1 : i32
    "tpu.region"() ({
      %run_scoped3A_66 = tpu.sem_alloc : memref<!tpu.dma_semaphore, #tpu.memory_space<semaphore_mem>>
      %dma_start3A_67 = arith.constant 0 : i32
      %dma_start3A_68 = tpu.memref_slice %arg3[%run_scoped3A_41, %add3A_39, %dma_start3A_67] : memref<2x2560x128xi32, #tpu.memory_space<hbm>> -> memref<1x40x128xi32, #tpu.memory_space<hbm>>
      %dma_start3A_69 = tpu.memref_squeeze %dma_start3A_68 : memref<1x40x128xi32, #tpu.memory_space<hbm>> -> memref<40x128xi32, #tpu.memory_space<hbm>>
      %dma_start3A_70 = arith.constant 0 : i32
      %dma_start3A_71 = tpu.memref_slice %arg3[%run_scoped3A_41, %add3A_39, %dma_start3A_70] : memref<2x2560x128xi32, #tpu.memory_space<hbm>> -> memref<1x40x128xi32, #tpu.memory_space<hbm>>
      %dma_start3A_72 = tpu.memref_squeeze %dma_start3A_71 : memref<1x40x128xi32, #tpu.memory_space<hbm>> -> memref<40x128xi32, #tpu.memory_space<hbm>>
      tpu.enqueue_dma source(%dma_start3A_72 : memref<40x128xi32, #tpu.memory_space<hbm>>) target(%arg8 : memref<40x128xi32, #tpu.memory_space<vmem>>) target_semaphore(%run_scoped3A_66 : memref<!tpu.dma_semaphore, #tpu.memory_space<semaphore_mem>>)
      %dma_wait3A = arith.constant 0 : i32
      %dma_wait3A_73 = tpu.memref_slice %arg3[%run_scoped3A_41, %add3A_39, %dma_wait3A] : memref<2x2560x128xi32, #tpu.memory_space<hbm>> -> memref<1x40x128xi32, #tpu.memory_space<hbm>>
      %dma_wait3A_74 = tpu.memref_squeeze %dma_wait3A_73 : memref<1x40x128xi32, #tpu.memory_space<hbm>> -> memref<40x128xi32, #tpu.memory_space<hbm>>
      %dma_wait3A_75 = arith.constant 0 : i32
      %dma_wait3A_76 = tpu.memref_slice %arg3[%run_scoped3A_41, %add3A_39, %dma_wait3A_75] : memref<2x2560x128xi32, #tpu.memory_space<hbm>> -> memref<1x40x128xi32, #tpu.memory_space<hbm>>
      %dma_wait3A_77 = tpu.memref_squeeze %dma_wait3A_76 : memref<1x40x128xi32, #tpu.memory_space<hbm>> -> memref<40x128xi32, #tpu.memory_space<hbm>>
      tpu.wait_dma2 semaphore(%run_scoped3A_66 : memref<!tpu.dma_semaphore, #tpu.memory_space<semaphore_mem>>) src(%dma_wait3A_77 : memref<40x128xi32, #tpu.memory_space<hbm>>) dst(%arg8 : memref<40x128xi32, #tpu.memory_space<vmem>>)
      tpu.yield
    }) : () -> ()
    %dma_start3A_42 = arith.constant 0 : i32
    %dma_start3A_43 = arith.constant 0 : i32
    %dma_start3A_44 = tpu.memref_slice %arg7[%dma_start3A_42, %dma_start3A_43] : memref<40x128xi32, #tpu.memory_space<vmem>> -> memref<1x128xi32, #tpu.memory_space<vmem>>
    %dma_start3A_45 = tpu.memref_squeeze %dma_start3A_44 : memref<1x128xi32, #tpu.memory_space<vmem>> -> memref<128xi32, #tpu.memory_space<vmem>>
    %dma_start3A_46 = arith.constant 0 : i32
    %dma_start3A_47 = arith.constant 0 : i32
    %dma_start3A_48 = tpu.memref_slice %arg2[%dma_start3A_46, %dma_start3A_47] : memref<10000x128xf32, #tpu.memory_space<hbm>> -> memref<10000x128xf32, #tpu.memory_space<hbm>>
    tpu.enqueue_indirect_dma source(%dma_start3A_48 : memref<10000x128xf32, #tpu.memory_space<hbm>>) target(%arg9 : memref<128x128xf32, #tpu.memory_space<vmem>>) offsets(%dma_start3A_45 : memref<128xi32, #tpu.memory_space<vmem>>) semaphore(%arg11 : memref<!tpu.dma_semaphore, #tpu.memory_space<semaphore_mem>>)
    %dma_start3A_49 = arith.constant 1 : i32
    %dma_start3A_50 = arith.constant 0 : i32
    %dma_start3A_51 = tpu.memref_slice %arg7[%dma_start3A_49, %dma_start3A_50] : memref<40x128xi32, #tpu.memory_space<vmem>> -> memref<1x128xi32, #tpu.memory_space<vmem>>
    %dma_start3A_52 = tpu.memref_squeeze %dma_start3A_51 : memref<1x128xi32, #tpu.memory_space<vmem>> -> memref<128xi32, #tpu.memory_space<vmem>>
    %dma_start3A_53 = arith.constant 0 : i32
    %dma_start3A_54 = arith.constant 0 : i32
    %dma_start3A_55 = tpu.memref_slice %arg2[%dma_start3A_53, %dma_start3A_54] : memref<10000x128xf32, #tpu.memory_space<hbm>> -> memref<10000x128xf32, #tpu.memory_space<hbm>>
    tpu.enqueue_indirect_dma source(%dma_start3A_55 : memref<10000x128xf32, #tpu.memory_space<hbm>>) target(%arg10 : memref<128x128xf32, #tpu.memory_space<vmem>>) offsets(%dma_start3A_52 : memref<128xi32, #tpu.memory_space<vmem>>) semaphore(%arg12 : memref<!tpu.dma_semaphore, #tpu.memory_space<semaphore_mem>>)
    %scan3A_56 = arith.constant 0 : i32
    %scan3A_57 = arith.constant 0 : i32
    %scan3A_58 = arith.constant 20 : i32
    %scan3A_59 = arith.addi %scan3A_57, %scan3A_58 : i32
    %scan3A_60 = arith.constant 1 : i32
    scf.for %scan3A_66 = %scan3A_57 to %scan3A_59 step %scan3A_60  : i32 {
      %mul3A_67 = arith.constant 2 : i32
      %mul3A_68 = arith.muli %mul3A_67, %scan3A_66 : i32
      %add3A_69 = arith.constant 1 : i32
      %add3A_70 = arith.addi %mul3A_68, %add3A_69 : i32
      %dma_wait3A = arith.constant 0 : i32
      %dma_wait3A_71 = tpu.memref_slice %arg7[%mul3A_68, %dma_wait3A] : memref<40x128xi32, #tpu.memory_space<vmem>> -> memref<1x128xi32, #tpu.memory_space<vmem>>
      %dma_wait3A_72 = tpu.memref_squeeze %dma_wait3A_71 : memref<1x128xi32, #tpu.memory_space<vmem>> -> memref<128xi32, #tpu.memory_space<vmem>>
      %dma_wait3A_73 = arith.constant 0 : i32
      %dma_wait3A_74 = arith.constant 0 : i32
      %dma_wait3A_75 = tpu.memref_slice %arg2[%dma_wait3A_73, %dma_wait3A_74] : memref<10000x128xf32, #tpu.memory_space<hbm>> -> memref<10000x128xf32, #tpu.memory_space<hbm>>
      tpu.wait_indirect_dma semaphore(%arg11 : memref<!tpu.dma_semaphore, #tpu.memory_space<semaphore_mem>>) src(%dma_wait3A_75 : memref<10000x128xf32, #tpu.memory_space<hbm>>) dst(%arg9 : memref<128x128xf32, #tpu.memory_space<vmem>>)
      "tpu.region"() ({
        %run_scoped3A_93 = tpu.sem_alloc : memref<!tpu.dma_semaphore, #tpu.memory_space<semaphore_mem>>
        %dma_start3A_94 = arith.constant 0 : i32
        %dma_start3A_95 = tpu.memref_slice %arg8[%mul3A_68, %dma_start3A_94] : memref<40x128xi32, #tpu.memory_space<vmem>> -> memref<1x128xi32, #tpu.memory_space<vmem>>
        %dma_start3A_96 = tpu.memref_squeeze %dma_start3A_95 : memref<1x128xi32, #tpu.memory_space<vmem>> -> memref<128xi32, #tpu.memory_space<vmem>>
        %dma_start3A_97 = arith.constant 0 : i32
        %dma_start3A_98 = arith.constant 0 : i32
        %dma_start3A_99 = tpu.memref_slice %arg6[%dma_start3A_97, %dma_start3A_98] : memref<10240x128xf32, #tpu.memory_space<vmem_shared>> -> memref<10240x128xf32, #tpu.memory_space<vmem_shared>>
        tpu.enqueue_indirect_dma source(%arg9 : memref<128x128xf32, #tpu.memory_space<vmem>>) target(%dma_start3A_99 : memref<10240x128xf32, #tpu.memory_space<vmem_shared>>) offsets(%dma_start3A_96 : memref<128xi32, #tpu.memory_space<vmem>>) semaphore(%run_scoped3A_93 : memref<!tpu.dma_semaphore, #tpu.memory_space<semaphore_mem>>) {add = true}
        %dma_wait3A_100 = arith.constant 0 : i32
        %dma_wait3A_101 = tpu.memref_slice %arg8[%mul3A_68, %dma_wait3A_100] : memref<40x128xi32, #tpu.memory_space<vmem>> -> memref<1x128xi32, #tpu.memory_space<vmem>>
        %dma_wait3A_102 = tpu.memref_squeeze %dma_wait3A_101 : memref<1x128xi32, #tpu.memory_space<vmem>> -> memref<128xi32, #tpu.memory_space<vmem>>
        %dma_wait3A_103 = arith.constant 0 : i32
        %dma_wait3A_104 = arith.constant 0 : i32
        %dma_wait3A_105 = tpu.memref_slice %arg6[%dma_wait3A_103, %dma_wait3A_104] : memref<10240x128xf32, #tpu.memory_space<vmem_shared>> -> memref<10240x128xf32, #tpu.memory_space<vmem_shared>>
        tpu.wait_indirect_dma semaphore(%run_scoped3A_93 : memref<!tpu.dma_semaphore, #tpu.memory_space<semaphore_mem>>) src(%arg9 : memref<128x128xf32, #tpu.memory_space<vmem>>) dst(%dma_wait3A_105 : memref<10240x128xf32, #tpu.memory_space<vmem_shared>>)
        tpu.yield
      }) : () -> ()
      %add3A_76 = arith.constant 2 : i32
      %add3A_77 = arith.addi %mul3A_68, %add3A_76 : i32
      %lt3A = arith.constant 40 : i32
      %lt3A_78 = arith.cmpi slt, %add3A_77, %lt3A : i32
      %convert_element_type3A = arith.extui %lt3A_78 : i1 to i32
      %cond3A = arith.constant 0 : i32
      %cond3A_79 = arith.cmpi ne, %convert_element_type3A, %cond3A : i32
      scf.if %cond3A_79 {
        %add3A_93 = arith.constant 2 : i32
        %add3A_94 = arith.addi %mul3A_68, %add3A_93 : i32
        %dma_start3A_95 = arith.constant 0 : i32
        %dma_start3A_96 = tpu.memref_slice %arg7[%add3A_94, %dma_start3A_95] : memref<40x128xi32, #tpu.memory_space<vmem>> -> memref<1x128xi32, #tpu.memory_space<vmem>>
        %dma_start3A_97 = tpu.memref_squeeze %dma_start3A_96 : memref<1x128xi32, #tpu.memory_space<vmem>> -> memref<128xi32, #tpu.memory_space<vmem>>
        %dma_start3A_98 = arith.constant 0 : i32
        %dma_start3A_99 = arith.constant 0 : i32
        %dma_start3A_100 = tpu.memref_slice %arg2[%dma_start3A_98, %dma_start3A_99] : memref<10000x128xf32, #tpu.memory_space<hbm>> -> memref<10000x128xf32, #tpu.memory_space<hbm>>
        tpu.enqueue_indirect_dma source(%dma_start3A_100 : memref<10000x128xf32, #tpu.memory_space<hbm>>) target(%arg9 : memref<128x128xf32, #tpu.memory_space<vmem>>) offsets(%dma_start3A_97 : memref<128xi32, #tpu.memory_space<vmem>>) semaphore(%arg11 : memref<!tpu.dma_semaphore, #tpu.memory_space<semaphore_mem>>)
      } else {
      }
      %dma_wait3A_80 = arith.constant 0 : i32
      %dma_wait3A_81 = tpu.memref_slice %arg7[%add3A_70, %dma_wait3A_80] : memref<40x128xi32, #tpu.memory_space<vmem>> -> memref<1x128xi32, #tpu.memory_space<vmem>>
      %dma_wait3A_82 = tpu.memref_squeeze %dma_wait3A_81 : memref<1x128xi32, #tpu.memory_space<vmem>> -> memref<128xi32, #tpu.memory_space<vmem>>
      %dma_wait3A_83 = arith.constant 0 : i32
      %dma_wait3A_84 = arith.constant 0 : i32
      %dma_wait3A_85 = tpu.memref_slice %arg2[%dma_wait3A_83, %dma_wait3A_84] : memref<10000x128xf32, #tpu.memory_space<hbm>> -> memref<10000x128xf32, #tpu.memory_space<hbm>>
      tpu.wait_indirect_dma semaphore(%arg12 : memref<!tpu.dma_semaphore, #tpu.memory_space<semaphore_mem>>) src(%dma_wait3A_85 : memref<10000x128xf32, #tpu.memory_space<hbm>>) dst(%arg10 : memref<128x128xf32, #tpu.memory_space<vmem>>)
      "tpu.region"() ({
        %run_scoped3A_93 = tpu.sem_alloc : memref<!tpu.dma_semaphore, #tpu.memory_space<semaphore_mem>>
        %dma_start3A_94 = arith.constant 0 : i32
        %dma_start3A_95 = tpu.memref_slice %arg8[%add3A_70, %dma_start3A_94] : memref<40x128xi32, #tpu.memory_space<vmem>> -> memref<1x128xi32, #tpu.memory_space<vmem>>
        %dma_start3A_96 = tpu.memref_squeeze %dma_start3A_95 : memref<1x128xi32, #tpu.memory_space<vmem>> -> memref<128xi32, #tpu.memory_space<vmem>>
        %dma_start3A_97 = arith.constant 0 : i32
        %dma_start3A_98 = arith.constant 0 : i32
        %dma_start3A_99 = tpu.memref_slice %arg6[%dma_start3A_97, %dma_start3A_98] : memref<10240x128xf32, #tpu.memory_space<vmem_shared>> -> memref<10240x128xf32, #tpu.memory_space<vmem_shared>>
        tpu.enqueue_indirect_dma source(%arg10 : memref<128x128xf32, #tpu.memory_space<vmem>>) target(%dma_start3A_99 : memref<10240x128xf32, #tpu.memory_space<vmem_shared>>) offsets(%dma_start3A_96 : memref<128xi32, #tpu.memory_space<vmem>>) semaphore(%run_scoped3A_93 : memref<!tpu.dma_semaphore, #tpu.memory_space<semaphore_mem>>) {add = true}
        %dma_wait3A_100 = arith.constant 0 : i32
        %dma_wait3A_101 = tpu.memref_slice %arg8[%add3A_70, %dma_wait3A_100] : memref<40x128xi32, #tpu.memory_space<vmem>> -> memref<1x128xi32, #tpu.memory_space<vmem>>
        %dma_wait3A_102 = tpu.memref_squeeze %dma_wait3A_101 : memref<1x128xi32, #tpu.memory_space<vmem>> -> memref<128xi32, #tpu.memory_space<vmem>>
        %dma_wait3A_103 = arith.constant 0 : i32
        %dma_wait3A_104 = arith.constant 0 : i32
        %dma_wait3A_105 = tpu.memref_slice %arg6[%dma_wait3A_103, %dma_wait3A_104] : memref<10240x128xf32, #tpu.memory_space<vmem_shared>> -> memref<10240x128xf32, #tpu.memory_space<vmem_shared>>
        tpu.wait_indirect_dma semaphore(%run_scoped3A_93 : memref<!tpu.dma_semaphore, #tpu.memory_space<semaphore_mem>>) src(%arg10 : memref<128x128xf32, #tpu.memory_space<vmem>>) dst(%dma_wait3A_105 : memref<10240x128xf32, #tpu.memory_space<vmem_shared>>)
        tpu.yield
      }) : () -> ()
      %add3A_86 = arith.constant 2 : i32
      %add3A_87 = arith.addi %add3A_70, %add3A_86 : i32
      %lt3A_88 = arith.constant 40 : i32
      %lt3A_89 = arith.cmpi slt, %add3A_87, %lt3A_88 : i32
      %convert_element_type3A_90 = arith.extui %lt3A_89 : i1 to i32
      %cond3A_91 = arith.constant 0 : i32
      %cond3A_92 = arith.cmpi ne, %convert_element_type3A_90, %cond3A_91 : i32
      scf.if %cond3A_92 {
        %add3A_93 = arith.constant 2 : i32
        %add3A_94 = arith.addi %add3A_70, %add3A_93 : i32
        %dma_start3A_95 = arith.constant 0 : i32
        %dma_start3A_96 = tpu.memref_slice %arg7[%add3A_94, %dma_start3A_95] : memref<40x128xi32, #tpu.memory_space<vmem>> -> memref<1x128xi32, #tpu.memory_space<vmem>>
        %dma_start3A_97 = tpu.memref_squeeze %dma_start3A_96 : memref<1x128xi32, #tpu.memory_space<vmem>> -> memref<128xi32, #tpu.memory_space<vmem>>
        %dma_start3A_98 = arith.constant 0 : i32
        %dma_start3A_99 = arith.constant 0 : i32
        %dma_start3A_100 = tpu.memref_slice %arg2[%dma_start3A_98, %dma_start3A_99] : memref<10000x128xf32, #tpu.memory_space<hbm>> -> memref<10000x128xf32, #tpu.memory_space<hbm>>
        tpu.enqueue_indirect_dma source(%dma_start3A_100 : memref<10000x128xf32, #tpu.memory_space<hbm>>) target(%arg10 : memref<128x128xf32, #tpu.memory_space<vmem>>) offsets(%dma_start3A_97 : memref<128xi32, #tpu.memory_space<vmem>>) semaphore(%arg12 : memref<!tpu.dma_semaphore, #tpu.memory_space<semaphore_mem>>)
      } else {
      }
    }
    %scan3A_61 = arith.constant 20 : i32
    %barrier3A_62 = arith.constant 0 : index
    tpu.barrier barrier_id(%barrier3A_62)
    %mul3A_63 = arith.constant 16 : i32
    %mul3A_64 = arith.muli %arg0, %mul3A_63 : i32
    %add3A_65 = arith.addi %mul3A_64, %arg1 : i32
    "tpu.region"() ({
      %run_scoped3A_66 = tpu.sem_alloc : memref<!tpu.dma_semaphore, #tpu.memory_space<semaphore_mem>>
      %dma_start3A_67 = arith.constant 0 : i32
      %dma_start3A_68 = arith.constant 0 : i32
      %dma_start3A_69 = tpu.memref_slice %arg5[%add3A_65, %dma_start3A_67, %dma_start3A_68] : memref<32x640x128xf32, #tpu.memory_space<hbm>> -> memref<1x640x128xf32, #tpu.memory_space<hbm>>
      %dma_start3A_70 = tpu.memref_squeeze %dma_start3A_69 : memref<1x640x128xf32, #tpu.memory_space<hbm>> -> memref<640x128xf32, #tpu.memory_space<hbm>>
      %dma_start3A_71 = arith.constant 0 : i32
      %dma_start3A_72 = tpu.memref_slice %arg6[%mul3A_2, %dma_start3A_71] : memref<10240x128xf32, #tpu.memory_space<vmem_shared>> -> memref<640x128xf32, #tpu.memory_space<vmem_shared>>
      tpu.enqueue_dma source(%dma_start3A_72 : memref<640x128xf32, #tpu.memory_space<vmem_shared>>) target(%dma_start3A_70 : memref<640x128xf32, #tpu.memory_space<hbm>>) target_semaphore(%run_scoped3A_66 : memref<!tpu.dma_semaphore, #tpu.memory_space<semaphore_mem>>)
      %dma_wait3A = arith.constant 0 : i32
      %dma_wait3A_73 = arith.constant 0 : i32
      %dma_wait3A_74 = tpu.memref_slice %arg5[%add3A_65, %dma_wait3A, %dma_wait3A_73] : memref<32x640x128xf32, #tpu.memory_space<hbm>> -> memref<1x640x128xf32, #tpu.memory_space<hbm>>
      %dma_wait3A_75 = tpu.memref_squeeze %dma_wait3A_74 : memref<1x640x128xf32, #tpu.memory_space<hbm>> -> memref<640x128xf32, #tpu.memory_space<hbm>>
      %dma_wait3A_76 = arith.constant 0 : i32
      %dma_wait3A_77 = tpu.memref_slice %arg6[%mul3A_2, %dma_wait3A_76] : memref<10240x128xf32, #tpu.memory_space<vmem_shared>> -> memref<640x128xf32, #tpu.memory_space<vmem_shared>>
      tpu.wait_dma2 semaphore(%run_scoped3A_66 : memref<!tpu.dma_semaphore, #tpu.memory_space<semaphore_mem>>) src(%dma_wait3A_77 : memref<640x128xf32, #tpu.memory_space<vmem_shared>>) dst(%dma_wait3A_75 : memref<640x128xf32, #tpu.memory_space<hbm>>)
      tpu.yield
    }) : () -> ()
    return
  }
}

module attributes {stable_mosaic.version = 14 : i64} {
  func.func @body(%arg0: i32, %arg1: memref<1024x128xf32, #tpu.memory_space<vmem>>, %arg2: memref<128x128xf32, #tpu.memory_space<vmem>>, %arg3: memref<32x1024xf32, #tpu.memory_space<vmem>>, %arg4: memref<1024x128xf32, #tpu.memory_space<vmem>>, %arg5: memref<1024x16xf32, #tpu.memory_space<vmem>>) attributes {dimension_semantics = [#tpu.dimension_semantics<arbitrary>], iteration_bounds = array<i64: 10>, scalar_prefetch = 0 : i64, scratch_operands = 0 : i64, tpu.core_type = #tpu.core_type<tc>, window_params = [{transform_indices = @transform_0, window_bounds = array<i64: 1024, 128>}, {pipeline_mode = #tpu.pipeline_mode<synchronous>, transform_indices = @transform_1, window_bounds = array<i64: 128, 128>}, {transform_indices = @transform_2, window_bounds = array<i64: 32, 1024>}, {transform_indices = @transform_3, window_bounds = array<i64: 1024, 128>}, {transform_indices = @transform_4, window_bounds = array<i64: 1024, 16>}]} {
    %get3A = arith.constant 0 : index
    %get3A_0 = arith.constant 0 : index
    %get3A_1 = vector.load %arg3[%get3A, %get3A_0] : memref<32x1024xf32, #tpu.memory_space<vmem>>, vector<32x1024xf32>
    %broadcast_in_dim3A = arith.constant 1.000000e+00 : f32
    %broadcast_in_dim3A_2 = vector.broadcast %broadcast_in_dim3A : f32 to vector<32x1xf32>
    %dot_general3A = arith.constant dense<0.000000e+00> : vector<1024x1xf32>
    %dot_general3A_3 = tpu.matmul %get3A_1, %broadcast_in_dim3A_2, %dot_general3A {dimension_numbers = #tpu.dot_dimension_numbers<[0], [0], [1], [1], [0, 1, 1, 1], [], []>, transpose_lhs_hint = false} : vector<32x1024xf32>, vector<32x1xf32>, vector<1024x1xf32> -> vector<1024x1xf32>
    %add3A = arith.constant 1.000000e+00 : f32
    %add3A_4 = vector.broadcast %add3A : f32 to vector<1024x1xf32>
    %add3A_5 = arith.addf %dot_general3A_3, %add3A_4 : vector<1024x1xf32>
    %rsqrt3A = math.rsqrt %add3A_5 : vector<1024x1xf32>
    %broadcast_in_dim3A_6 = vector.shape_cast %rsqrt3A : vector<1024x1xf32> to vector<1024x1xf32>
    %broadcast_in_dim3A_7 = vector.broadcast %broadcast_in_dim3A_6 : vector<1024x1xf32> to vector<1024x16xf32>
    %swap3A = arith.constant 0 : index
    %swap3A_8 = arith.constant 0 : index
    %swap3A_9 = vector.load %arg5[%swap3A, %swap3A_8] : memref<1024x16xf32, #tpu.memory_space<vmem>>, vector<1024x16xf32>
    tpu.vector_store %arg5[%swap3A, %swap3A_8], %broadcast_in_dim3A_7 {strides = array<i32>} : memref<1024x16xf32, #tpu.memory_space<vmem>>, vector<1024x16xf32>,
    %get3A_10 = arith.constant 0 : index
    %get3A_11 = arith.constant 0 : index
    %get3A_12 = vector.load %arg1[%get3A_10, %get3A_11] : memref<1024x128xf32, #tpu.memory_space<vmem>>, vector<1024x128xf32>
    %get3A_13 = arith.constant 0 : index
    %get3A_14 = arith.constant 0 : index
    %get3A_15 = vector.load %arg2[%get3A_13, %get3A_14] : memref<128x128xf32, #tpu.memory_space<vmem>>, vector<128x128xf32>
    %dot_general3A_16 = arith.constant dense<0.000000e+00> : vector<1024x128xf32>
    %dot_general3A_17 = tpu.matmul %get3A_12, %get3A_15, %dot_general3A_16 {dimension_numbers = #tpu.dot_dimension_numbers<[1], [0], [0], [1], [0, 0, 1, 1], [], []>, transpose_lhs_hint = false} : vector<1024x128xf32>, vector<128x128xf32>, vector<1024x128xf32> -> vector<1024x128xf32>
    %mul3A = vector.broadcast %rsqrt3A : vector<1024x1xf32> to vector<1024x128xf32>
    %mul3A_18 = arith.mulf %dot_general3A_17, %mul3A : vector<1024x128xf32>
    %swap3A_19 = arith.constant 0 : index
    %swap3A_20 = arith.constant 0 : index
    %swap3A_21 = vector.load %arg4[%swap3A_19, %swap3A_20] : memref<1024x128xf32, #tpu.memory_space<vmem>>, vector<1024x128xf32>
    tpu.vector_store %arg4[%swap3A_19, %swap3A_20], %mul3A_18 {strides = array<i32>} : memref<1024x128xf32, #tpu.memory_space<vmem>>, vector<1024x128xf32>,
    return
  }
  func.func @transform_0(%arg0: i32) -> (i32, i32) {
    %c0_i32 = arith.constant 0 : i32
    %c0_i32_0 = arith.constant 0 : i32
    return %arg0, %c0_i32 : i32, i32
  }
  func.func @transform_1(%arg0: i32) -> (i32, i32) {
    %c0_i32 = arith.constant 0 : i32
    %c0_i32_0 = arith.constant 0 : i32
    %c0_i32_1 = arith.constant 0 : i32
    return %c0_i32, %c0_i32_0 : i32, i32
  }
  func.func @transform_2(%arg0: i32) -> (i32, i32) {
    %c0_i32 = arith.constant 0 : i32
    %c0_i32_0 = arith.constant 0 : i32
    return %c0_i32, %arg0 : i32, i32
  }
  func.func @transform_3(%arg0: i32) -> (i32, i32) {
    %c0_i32 = arith.constant 0 : i32
    %c0_i32_0 = arith.constant 0 : i32
    return %arg0, %c0_i32 : i32, i32
  }
  func.func @transform_4(%arg0: i32) -> (i32, i32) {
    %c0_i32 = arith.constant 0 : i32
    %c0_i32_0 = arith.constant 0 : i32
    return %arg0, %c0_i32 : i32, i32
  }
}

module attributes {stable_mosaic.version = 14 : i64} {
  func.func @body(%arg0: i32, %arg1: memref<2x1024x128xf32, #tpu.memory_space<vmem>>, %arg2: memref<1024x128xf32, #tpu.memory_space<vmem>>, %arg3: memref<1024x16xf32, #tpu.memory_space<vmem>>, %arg4: memref<1x128xf32, #tpu.memory_space<vmem>>, %arg5: memref<1024x128xf32, #tpu.memory_space<vmem>>, %arg6: memref<8x128xf32, #tpu.memory_space<vmem>>) attributes {dimension_semantics = [#tpu.dimension_semantics<arbitrary>], iteration_bounds = array<i64: 10>, scalar_prefetch = 0 : i64, scratch_operands = 0 : i64, tpu.core_type = #tpu.core_type<tc>, window_params = [{transform_indices = @transform_0, window_bounds = array<i64: 2, 1024, 128>}, {transform_indices = @transform_1, window_bounds = array<i64: 1024, 128>}, {transform_indices = @transform_2, window_bounds = array<i64: 1024, 16>}, {pipeline_mode = #tpu.pipeline_mode<synchronous>, transform_indices = @transform_3, window_bounds = array<i64: 1, 128>}, {transform_indices = @transform_4, window_bounds = array<i64: 1024, 128>}, {pipeline_mode = #tpu.pipeline_mode<synchronous>, transform_indices = @transform_5, window_bounds = array<i64: 8, 128>}]} {
    %get3A = arith.constant 0 : index
    %get3A_0 = arith.constant 0 : index
    %get3A_1 = arith.constant 0 : index
    %get3A_2 = vector.load %arg1[%get3A, %get3A_0, %get3A_1] : memref<2x1024x128xf32, #tpu.memory_space<vmem>>, vector<1x1024x128xf32>
    %get3A_3 = vector.shape_cast %get3A_2 : vector<1x1024x128xf32> to vector<1024x128xf32>
    %get3A_4 = arith.constant 1 : index
    %get3A_5 = arith.constant 0 : index
    %get3A_6 = arith.constant 0 : index
    %get3A_7 = vector.load %arg1[%get3A_4, %get3A_5, %get3A_6] : memref<2x1024x128xf32, #tpu.memory_space<vmem>>, vector<1x1024x128xf32>
    %get3A_8 = vector.shape_cast %get3A_7 : vector<1x1024x128xf32> to vector<1024x128xf32>
    %add3A = arith.addf %get3A_3, %get3A_8 : vector<1024x128xf32>
    %get3A_9 = arith.constant 0 : index
    %get3A_10 = arith.constant 0 : index
    %get3A_11 = vector.load %arg2[%get3A_9, %get3A_10] : memref<1024x128xf32, #tpu.memory_space<vmem>>, vector<1024x128xf32>
    %add3A_12 = arith.addf %add3A, %get3A_11 : vector<1024x128xf32>
    %get3A_13 = arith.constant 0 : index
    %get3A_14 = arith.constant 0 : index
    %get3A_15 = vector.load %arg3[%get3A_13, %get3A_14] : memref<1024x16xf32, #tpu.memory_space<vmem>>, vector<1024x1xf32>
    %mul3A = vector.broadcast %get3A_15 : vector<1024x1xf32> to vector<1024x128xf32>
    %mul3A_16 = arith.mulf %add3A_12, %mul3A : vector<1024x128xf32>
    %get3A_17 = arith.constant 0 : index
    %get3A_18 = arith.constant 0 : index
    %get3A_19 = vector.load %arg4[%get3A_17, %get3A_18] : memref<1x128xf32, #tpu.memory_space<vmem>>, vector<1x128xf32>
    %add3A_20 = vector.broadcast %get3A_19 : vector<1x128xf32> to vector<1024x128xf32>
    %add3A_21 = arith.addf %mul3A_16, %add3A_20 : vector<1024x128xf32>
    %swap3A = arith.constant 0 : index
    %swap3A_22 = arith.constant 0 : index
    %swap3A_23 = vector.load %arg5[%swap3A, %swap3A_22] : memref<1024x128xf32, #tpu.memory_space<vmem>>, vector<1024x128xf32>
    tpu.vector_store %arg5[%swap3A, %swap3A_22], %add3A_21 {strides = array<i32>} : memref<1024x128xf32, #tpu.memory_space<vmem>>, vector<1024x128xf32>,
    %eq3A = arith.constant 0 : i32
    %eq3A_24 = arith.cmpi eq, %arg0, %eq3A : i32
    %convert_element_type3A = arith.extui %eq3A_24 : i1 to i32
    %cond3A = arith.constant 0 : i32
    %cond3A_25 = arith.cmpi ne, %convert_element_type3A, %cond3A : i32
    scf.if %cond3A_25 {
      %broadcast_in_dim3A_54 = arith.constant 0.000000e+00 : f32
      %broadcast_in_dim3A_55 = vector.broadcast %broadcast_in_dim3A_54 : f32 to vector<8x128xf32>
      %swap3A_56 = arith.constant 0 : index
      %swap3A_57 = arith.constant 0 : index
      %swap3A_58 = vector.load %arg6[%swap3A_56, %swap3A_57] : memref<8x128xf32, #tpu.memory_space<vmem>>, vector<8x128xf32>
      tpu.vector_store %arg6[%swap3A_56, %swap3A_57], %broadcast_in_dim3A_55 {strides = array<i32>} : memref<8x128xf32, #tpu.memory_space<vmem>>, vector<8x128xf32>,
    } else {
    }
    %iota3A = tpu.iota {dimensions = array<i32: 0>} : vector<1024x1xi32>
    %mul3A_26 = arith.constant 1024 : i32
    %mul3A_27 = arith.muli %arg0, %mul3A_26 : i32
    %add3A_28 = vector.broadcast %mul3A_27 : i32 to vector<1024x1xi32>
    %add3A_29 = arith.addi %iota3A, %add3A_28 : vector<1024x1xi32>
    %lt3A = arith.constant 10000 : i32
    %lt3A_30 = vector.broadcast %lt3A : i32 to vector<1024x1xi32>
    %lt3A_31 = arith.cmpi slt, %add3A_29, %lt3A_30 : vector<1024x1xi32>
    %jit3A = arith.constant 0.000000e+00 : f32
    %broadcast_in_dim3A = vector.shape_cast %lt3A_31 : vector<1024x1xi1> to vector<1024x1xi1>
    %broadcast_in_dim3A_32 = vector.broadcast %broadcast_in_dim3A : vector<1024x1xi1> to vector<1024x128xi1>
    %broadcast_in_dim3A_33 = vector.broadcast %jit3A : f32 to vector<1024x128xf32>
    %select_n3A = arith.select %broadcast_in_dim3A_32, %add3A_21, %broadcast_in_dim3A_33 : vector<1024x128xi1>, vector<1024x128xf32>
    %get3A_34 = arith.constant 0 : index
    %get3A_35 = arith.constant 0 : index
    %get3A_36 = vector.load %arg6[%get3A_34, %get3A_35] : memref<8x128xf32, #tpu.memory_space<vmem>>, vector<1x128xf32>
    %reduce_sum3A = arith.constant dense<0.000000e+00> : vector<128xf32>
    %reduce_sum3A_37 = vector.multi_reduction <add>, %select_n3A, %reduce_sum3A [0] : vector<1024x128xf32> to vector<128xf32>
    %broadcast_in_dim3A_38 = vector.shape_cast %reduce_sum3A_37 : vector<128xf32> to vector<1x128xf32>
    %add3A_39 = arith.addf %get3A_36, %broadcast_in_dim3A_38 : vector<1x128xf32>
    %swap3A_40 = arith.constant 0 : index
    %swap3A_41 = arith.constant 0 : index
    %swap3A_42 = vector.load %arg6[%swap3A_40, %swap3A_41] : memref<8x128xf32, #tpu.memory_space<vmem>>, vector<1x128xf32>
    tpu.vector_store %arg6[%swap3A_40, %swap3A_41], %add3A_39 {strides = array<i32>} : memref<8x128xf32, #tpu.memory_space<vmem>>, vector<1x128xf32>,
    %get3A_43 = arith.constant 1 : index
    %get3A_44 = arith.constant 0 : index
    %get3A_45 = vector.load %arg6[%get3A_43, %get3A_44] : memref<8x128xf32, #tpu.memory_space<vmem>>, vector<1x128xf32>
    %mul3A_46 = arith.mulf %select_n3A, %select_n3A : vector<1024x128xf32>
    %reduce_sum3A_47 = arith.constant dense<0.000000e+00> : vector<128xf32>
    %reduce_sum3A_48 = vector.multi_reduction <add>, %mul3A_46, %reduce_sum3A_47 [0] : vector<1024x128xf32> to vector<128xf32>
    %broadcast_in_dim3A_49 = vector.shape_cast %reduce_sum3A_48 : vector<128xf32> to vector<1x128xf32>
    %add3A_50 = arith.addf %get3A_45, %broadcast_in_dim3A_49 : vector<1x128xf32>
    %swap3A_51 = arith.constant 1 : index
    %swap3A_52 = arith.constant 0 : index
    %swap3A_53 = vector.load %arg6[%swap3A_51, %swap3A_52] : memref<8x128xf32, #tpu.memory_space<vmem>>, vector<1x128xf32>
    tpu.vector_store %arg6[%swap3A_51, %swap3A_52], %add3A_50 {strides = array<i32>} : memref<8x128xf32, #tpu.memory_space<vmem>>, vector<1x128xf32>,
    return
  }
  func.func @transform_0(%arg0: i32) -> (i32, i32, i32) {
    %c0_i32 = arith.constant 0 : i32
    %c0_i32_0 = arith.constant 0 : i32
    %c0_i32_1 = arith.constant 0 : i32
    return %c0_i32, %arg0, %c0_i32_0 : i32, i32, i32
  }
  func.func @transform_1(%arg0: i32) -> (i32, i32) {
    %c0_i32 = arith.constant 0 : i32
    %c0_i32_0 = arith.constant 0 : i32
    return %arg0, %c0_i32 : i32, i32
  }
  func.func @transform_2(%arg0: i32) -> (i32, i32) {
    %c0_i32 = arith.constant 0 : i32
    %c0_i32_0 = arith.constant 0 : i32
    return %arg0, %c0_i32 : i32, i32
  }
  func.func @transform_3(%arg0: i32) -> (i32, i32) {
    %c0_i32 = arith.constant 0 : i32
    %c0_i32_0 = arith.constant 0 : i32
    %c0_i32_1 = arith.constant 0 : i32
    return %c0_i32, %c0_i32_0 : i32, i32
  }
  func.func @transform_4(%arg0: i32) -> (i32, i32) {
    %c0_i32 = arith.constant 0 : i32
    %c0_i32_0 = arith.constant 0 : i32
    return %arg0, %c0_i32 : i32, i32
  }
  func.func @transform_5(%arg0: i32) -> (i32, i32) {
    %c0_i32 = arith.constant 0 : i32
    %c0_i32_0 = arith.constant 0 : i32
    %c0_i32_1 = arith.constant 0 : i32
    return %c0_i32, %c0_i32_0 : i32, i32
  }
}

module attributes {stable_mosaic.version = 14 : i64} {
  func.func @body(%arg0: i32, %arg1: memref<1024x128xf32, #tpu.memory_space<vmem>>, %arg2: memref<8x128xf32, #tpu.memory_space<vmem>>, %arg3: memref<1024x128xf32, #tpu.memory_space<vmem>>, %arg4: memref<1x128xf32, #tpu.memory_space<vmem>>, %arg5: memref<1x128xf32, #tpu.memory_space<vmem>>, %arg6: memref<1024x128xf32, #tpu.memory_space<vmem>>) attributes {dimension_semantics = [#tpu.dimension_semantics<arbitrary>], iteration_bounds = array<i64: 10>, scalar_prefetch = 0 : i64, scratch_operands = 0 : i64, tpu.core_type = #tpu.core_type<tc>, window_params = [{transform_indices = @transform_0, window_bounds = array<i64: 1024, 128>}, {pipeline_mode = #tpu.pipeline_mode<synchronous>, transform_indices = @transform_1, window_bounds = array<i64: 8, 128>}, {transform_indices = @transform_2, window_bounds = array<i64: 1024, 128>}, {pipeline_mode = #tpu.pipeline_mode<synchronous>, transform_indices = @transform_3, window_bounds = array<i64: 1, 128>}, {pipeline_mode = #tpu.pipeline_mode<synchronous>, transform_indices = @transform_4, window_bounds = array<i64: 1, 128>}, {transform_indices = @transform_5, window_bounds = array<i64: 1024, 128>}]} {
    %get3A = arith.constant 0 : index
    %get3A_0 = arith.constant 0 : index
    %get3A_1 = vector.load %arg2[%get3A, %get3A_0] : memref<8x128xf32, #tpu.memory_space<vmem>>, vector<1x128xf32>
    %mul3A = arith.constant 9.99999974E-5 : f32
    %mul3A_2 = vector.broadcast %mul3A : f32 to vector<1x128xf32>
    %mul3A_3 = arith.mulf %get3A_1, %mul3A_2 : vector<1x128xf32>
    %get3A_4 = arith.constant 1 : index
    %get3A_5 = arith.constant 0 : index
    %get3A_6 = vector.load %arg2[%get3A_4, %get3A_5] : memref<8x128xf32, #tpu.memory_space<vmem>>, vector<1x128xf32>
    %mul3A_7 = arith.constant 9.99999974E-5 : f32
    %mul3A_8 = vector.broadcast %mul3A_7 : f32 to vector<1x128xf32>
    %mul3A_9 = arith.mulf %get3A_6, %mul3A_8 : vector<1x128xf32>
    %mul3A_10 = arith.mulf %mul3A_3, %mul3A_3 : vector<1x128xf32>
    %sub3A = arith.subf %mul3A_9, %mul3A_10 : vector<1x128xf32>
    %add3A = arith.constant 9.99999974E-6 : f32
    %add3A_11 = vector.broadcast %add3A : f32 to vector<1x128xf32>
    %add3A_12 = arith.addf %sub3A, %add3A_11 : vector<1x128xf32>
    %rsqrt3A = math.rsqrt %add3A_12 : vector<1x128xf32>
    %get3A_13 = arith.constant 0 : index
    %get3A_14 = arith.constant 0 : index
    %get3A_15 = vector.load %arg1[%get3A_13, %get3A_14] : memref<1024x128xf32, #tpu.memory_space<vmem>>, vector<1024x128xf32>
    %sub3A_16 = vector.broadcast %mul3A_3 : vector<1x128xf32> to vector<1024x128xf32>
    %sub3A_17 = arith.subf %get3A_15, %sub3A_16 : vector<1024x128xf32>
    %get3A_18 = arith.constant 0 : index
    %get3A_19 = arith.constant 0 : index
    %get3A_20 = vector.load %arg4[%get3A_18, %get3A_19] : memref<1x128xf32, #tpu.memory_space<vmem>>, vector<1x128xf32>
    %mul3A_21 = arith.mulf %rsqrt3A, %get3A_20 : vector<1x128xf32>
    %mul3A_22 = vector.broadcast %mul3A_21 : vector<1x128xf32> to vector<1024x128xf32>
    %mul3A_23 = arith.mulf %sub3A_17, %mul3A_22 : vector<1024x128xf32>
    %get3A_24 = arith.constant 0 : index
    %get3A_25 = arith.constant 0 : index
    %get3A_26 = vector.load %arg5[%get3A_24, %get3A_25] : memref<1x128xf32, #tpu.memory_space<vmem>>, vector<1x128xf32>
    %add3A_27 = vector.broadcast %get3A_26 : vector<1x128xf32> to vector<1024x128xf32>
    %add3A_28 = arith.addf %mul3A_23, %add3A_27 : vector<1024x128xf32>
    %max3A = arith.constant 0.000000e+00 : f32
    %max3A_29 = vector.broadcast %max3A : f32 to vector<1024x128xf32>
    %max3A_30 = arith.maximumf %add3A_28, %max3A_29 : vector<1024x128xf32>
    %get3A_31 = arith.constant 0 : index
    %get3A_32 = arith.constant 0 : index
    %get3A_33 = vector.load %arg3[%get3A_31, %get3A_32] : memref<1024x128xf32, #tpu.memory_space<vmem>>, vector<1024x128xf32>
    %add3A_34 = arith.addf %max3A_30, %get3A_33 : vector<1024x128xf32>
    %swap3A = arith.constant 0 : index
    %swap3A_35 = arith.constant 0 : index
    %swap3A_36 = vector.load %arg6[%swap3A, %swap3A_35] : memref<1024x128xf32, #tpu.memory_space<vmem>>, vector<1024x128xf32>
    tpu.vector_store %arg6[%swap3A, %swap3A_35], %add3A_34 {strides = array<i32>} : memref<1024x128xf32, #tpu.memory_space<vmem>>, vector<1024x128xf32>,
    return
  }
  func.func @transform_0(%arg0: i32) -> (i32, i32) {
    %c0_i32 = arith.constant 0 : i32
    %c0_i32_0 = arith.constant 0 : i32
    return %arg0, %c0_i32 : i32, i32
  }
  func.func @transform_1(%arg0: i32) -> (i32, i32) {
    %c0_i32 = arith.constant 0 : i32
    %c0_i32_0 = arith.constant 0 : i32
    %c0_i32_1 = arith.constant 0 : i32
    return %c0_i32, %c0_i32_0 : i32, i32
  }
  func.func @transform_2(%arg0: i32) -> (i32, i32) {
    %c0_i32 = arith.constant 0 : i32
    %c0_i32_0 = arith.constant 0 : i32
    return %arg0, %c0_i32 : i32, i32
  }
  func.func @transform_3(%arg0: i32) -> (i32, i32) {
    %c0_i32 = arith.constant 0 : i32
    %c0_i32_0 = arith.constant 0 : i32
    %c0_i32_1 = arith.constant 0 : i32
    return %c0_i32, %c0_i32_0 : i32, i32
  }
  func.func @transform_4(%arg0: i32) -> (i32, i32) {
    %c0_i32 = arith.constant 0 : i32
    %c0_i32_0 = arith.constant 0 : i32
    %c0_i32_1 = arith.constant 0 : i32
    return %c0_i32, %c0_i32_0 : i32, i32
  }
  func.func @transform_5(%arg0: i32) -> (i32, i32) {
    %c0_i32 = arith.constant 0 : i32
    %c0_i32_0 = arith.constant 0 : i32
    return %arg0, %c0_i32 : i32, i32
  }
}

</mosaic_0001>

<sc_bundles>
// kernel: kernel.10.cloned.1.call-start
scs
__scs_entry_jumppad:
0x0: {  	(pc) =	sbr.rel $0x88, $3  }
0x1: {  	(tag) =	ssettag $0x0;
	lr =	simm.s32 $0x1  }
0x2: {  	[smem:$0x3F9B] =	sst lr;
	_ =	strace $0xD0000000  }
0x3: {  	_ = 	snop  }
0x4: {  	_ = 	snop  }
0x5: {  	_ = 	snop  }
0x6: {  	_ = 	snop  }
0x7: {  	_ = 	snop  }
__scs_overlays_trampoline_lowered:
0x8: {  	[smem:$0x3FAA] =	sst s0  }
0x9: {  	[smem:$0x3FAB] =	sst s1  }
0xa: {  	[smem:$0x3FAC] =	sst s2  }
0xb: {  	[smem:$0x3FAD] =	sst s3  }
0xc: {  	[smem:$0x3FAE] =	sst s4  }
0xd: {  	[smem:$0x3FAF] =	sst s5  }
0xe: {  	[smem:$0x3FB0] =	sst s6  }
0xf: {  	[smem:$0x3FB1] =	sst s7  }
0x10: {  	[smem:$0x3FB2] =	sst s8  }
0x11: {  	[smem:$0x3FB3] =	sst s9;
	s0 =	simm.s32 @!p0 $0x0  }
0x12: {  	s1 =	sld [smem:$0x3F99];
	s0 =	simm.s32 @p0 $0x1  }
0x13: {  	[smem:$0x3FB4] =	sst s0;
	s0 =	simm.s32 @!p1 $0x0  }
0x14: {  	s2 =	sld [smem:$0x3F98];
	s0 =	simm.s32 @p1 $0x1  }
0x15: {  	[smem:$0x3FB5] =	sst s0;
	s0 =	simm.s32 @!p2 $0x0  }
0x16: {  	s3 =	sld [smem:$0x3FDB];
	s0 =	simm.s32 @p2 $0x1  }
0x17: {  	s4 =	simm.s32 $0x1BF5;
	[smem:$0x3FB7] =	sst s0  }
0x18: {  	s0 =	sld [smem:$0x3F9A];
	_ =	swait.ge [sflag:s4], $0x0  }
0x19: {  	s7 =	sld [smem:$0x3F9B]  }
0x1a: {  	s8 =	sadd.s32 $0xFFFFE003, lr  }
0x1b: {  	s9 =	sadd.s32 $0xFFFFFEF7, lr;
	s5 =	simm.s32 $0xFFFFFFFF;
	p2 =	slt.u32 s8, $0xFFFFF086  }
0x1c: {  	p1 =	slt.u32 s9, $0xF7A;
	s5 =	simm.s32 @!p2 $0x0  }
0x1d: {  	s5 =	simm.s32 @p1 $0x1;
	p0 =	seq.s32 s7, s2  }
0x1e: {  	s7 =	smul.u32 @!p0 $0xF7A, s2;
	p2 =	seq.s32 @!p0 s5, $0x0  }
0x1f: {  	s9 =	smul.u32 $0xF7A, s1;
	s8 =	simm.s32 @!p0 $0x1BF5;
	p2 =	por !p2, p0  }
0x20: {  	[sflag:s8] =	ssyncset.s32 @!p0 $0xFFFFF086;
	s6 =	sadd.s32 @!p0 s3, s7;
	s7 =	simm.s32 @!p0 $0x108  }
0x21: {  	s3 =	sadd.s32 s3, s9;
	s6 =	sadd.s32 @!p0 $0x88, s6;
	s7 =	simm.s32 @p2 $0x1082  }
0x22: {  	[simem:s7], [sflag:s8] =	dma.local @!p0 [hbm:s6], $0xF7A  }
0x23: {  	s9 =	sor.u32 $0xD0000000, s2;
	s6 =	simm.s32 $0x108;
	_ =	swait.ge @!p0 [sflag:s8], $0x0  }
0x24: {  	s3 =	sadd.s32 $0x88, s3;
	s6 =	simm.s32 @!p1 $0x1082;
	[sflag:s4] =	ssyncset.s32 $0xFFFFF086  }
0x25: {  	[simem:s6], [sflag:s4] =	dma.local [hbm:s3], $0xF7A  }
0x26: {  	[smem:$0x3F9B] =	sst s1;
	(tag) =	ssettag s2;
	_ =	strace s9  }
0x27: {  	s1 =	sld [smem:$0x3FAB]  }
0x28: {  	s2 =	sld [smem:$0x3FAC]  }
0x29: {  	s4 =	sld [smem:$0x3FAE]  }
0x2a: {  	p0 =	seq.s32 s5, $0x0;
	s5 =	sld [smem:$0x3FAF]  }
0x2b: {  	s6 =	sld [smem:$0x3FB0]  }
0x2c: {  	s7 =	sld [smem:$0x3FB1]  }
0x2d: {  	s3 =	simm.s32 $0x108;
	s8 =	sld [smem:$0x3FB2]  }
0x2e: {  	s3 =	simm.s32 @!p0 $0x1082;
	s9 =	sld [smem:$0x3FB3]  }
0x2f: {  	lr =	sadd.s32 s0, s3;
	s0 =	sld [smem:$0x3FAA]  }
0x30: {  	s3 =	sld [smem:$0x3FAD]  }
0x31: {  	[smem:$0x3FB6] =	sst s10  }
0x32: {  	s10 =	sld [smem:$0x3FB4];
	_ =	sdelay $0x3  }
0x33: {  	p0 =	seq.s32 s10, $0x1;
	s10 =	sld [smem:$0x3FB6];
	_ =	sdelay $0x3  }
0x34: {  	[smem:$0x3FB6] =	sst s10  }
0x35: {  	s10 =	sld [smem:$0x3FB5];
	_ =	sdelay $0x3  }
0x36: {  	p1 =	seq.s32 s10, $0x1;
	s10 =	sld [smem:$0x3FB6];
	_ =	sdelay $0x3  }
0x37: {  	[smem:$0x3FB6] =	sst s10  }
0x38: {  	s10 =	sld [smem:$0x3FB7]  }
0x39: {  	_ = 	snop;
	(pc) =	sbr.ind lr, $3  }
0x3a: {  	_ = 	snop  }
0x3b: {  	_ = 	snop  }
0x3c: {  	p2 =	seq.s32 s10, $0x1;
	s10 =	sld [smem:$0x3FB6]  }
0x3d: {  	_ =	shalt  }
0x3e: {  	_ =	shalt  }
0x3f: {  	_ =	shalt  }
0x40: {  	_ =	shalt  }
0x41: {  	_ =	shalt  }
0x42: {  	_ =	shalt  }
0x43: {  	_ =	shalt  }
0x44: {  	_ =	shalt  }
0x45: {  	_ =	shalt  }
0x46: {  	_ =	shalt  }
0x47: {  	_ =	shalt  }
0x48: {  	_ =	shalt  }
0x49: {  	_ =	shalt  }
0x4a: {  	_ =	shalt  }
0x4b: {  	_ =	shalt  }
0x4c: {  	_ =	shalt  }
0x4d: {  	_ =	shalt  }
0x4e: {  	_ =	shalt  }
0x4f: {  	_ =	shalt  }
0x50: {  	_ =	shalt  }
0x51: {  	_ =	shalt  }
0x52: {  	_ =	shalt  }
0x53: {  	_ =	shalt  }
0x54: {  	_ =	shalt  }
0x55: {  	_ =	shalt  }
0x56: {  	_ =	shalt  }
0x57: {  	_ =	shalt  }
0x58: {  	_ =	shalt  }
0x59: {  	_ =	shalt  }
0x5a: {  	_ =	shalt  }
0x5b: {  	_ =	shalt  }
0x5c: {  	_ =	shalt  }
0x5d: {  	_ =	shalt  }
0x5e: {  	_ =	shalt  }
0x5f: {  	_ =	shalt  }
0x60: {  	_ =	shalt  }
0x61: {  	_ =	shalt  }
0x62: {  	_ =	shalt  }
0x63: {  	_ =	shalt  }
0x64: {  	_ =	shalt  }
0x65: {  	_ =	shalt  }
0x66: {  	_ =	shalt  }
0x67: {  	_ =	shalt  }
0x68: {  	_ =	shalt  }
0x69: {  	_ =	shalt  }
0x6a: {  	_ =	shalt  }
0x6b: {  	_ =	shalt  }
0x6c: {  	_ =	shalt  }
0x6d: {  	_ =	shalt  }
0x6e: {  	_ =	shalt  }
0x6f: {  	_ =	shalt  }
0x70: {  	_ =	shalt  }
0x71: {  	_ =	shalt  }
0x72: {  	_ =	shalt  }
0x73: {  	_ =	shalt  }
0x74: {  	_ =	shalt  }
0x75: {  	_ =	shalt  }
0x76: {  	_ =	shalt  }
0x77: {  	_ =	shalt  }
0x78: {  	_ =	shalt  }
0x79: {  	_ =	shalt  }
0x7a: {  	_ =	shalt  }
0x7b: {  	_ =	shalt  }
0x7c: {  	_ =	shalt  }
0x7d: {  	_ =	shalt  }
0x7e: {  	_ =	shalt  }
0x7f: {  	_ =	shalt  }
0x80: {  	_ =	shalt  }
0x81: {  	_ =	shalt  }
0x82: {  	_ =	shalt  }
0x83: {  	_ =	shalt  }
0x84: {  	_ =	shalt  }
0x85: {  	_ =	shalt  }
0x86: {  	_ =	shalt  }
0x87: {  	_ =	shalt  }
.Lfunc_end0:
.L_simem_size_0:
called_computation.1_lowered:
.L_overlay_start_0:
0x88: {  	s2 =	sld [smem:$0x3FD9]  }
0x89: {  	s3 =	sld [smem:$0x3FFE];
	_ =	sdelay $0x1  }
0x8a: {  	s1 =	srdreg.scid  }
0x8b: {  	s0 =	sand.u32 $0x1, s1  }
0x8c: {  	s17 =	sshll.u32 s0, $0xA;
	s2 =	sadd.s32 s3, s2  }
0x8d: {  	s2 =	sadd.s32 s2, s17  }
0x8e: {  	[smem:$0x3FC2] =	sst s2  }
0x8f: {  	_ = 	snop  }
0x90: {  	s2 =	sld [smem:$0x3FD0];
	(tm) =	ssettm $0x1  }
0x91: {  	s18 =	sld [smem:$0x3FFB];
	_ =	sdelay $0x3  }
0x92: {  	_ =	strace s18  }
0x93: {  	s3 =	sld [smem:$0x3FFC];
	_ =	sdelay $0x3  }
0x94: {  	_ =	strace s3  }
0x95: {  	s3 =	sld [smem:$0x3FFD];
	_ =	sdelay $0x3  }
0x96: {  	_ =	strace s3  }
0x97: {  	_ =	strace $0x8FFFFFFF  }
0x98: {  	s19 =	sld [smem:$0x3FDB];
	_ =	sdelay $0x1  }
0x99: {  	s4 =	simm.s32 $_scs_section_size  }
0x9a: {  	s5 =	simm.s32 $_size__tile_overlayer_lowered;
	s6 =	simm.s32 $_tile_overlayer_lowered  }
0x9b: {  	s22 =	simm.s32 $0x1BFF;
	s21 =	sshll.u32 s6, $0x1;
	s3 =	sadd.s32 s4, s19  }
0x9c: {  	s7 =	simm.s32 $0x0;
	s20 =	sshll.u32 s5, $0x1;
	s5 =	sadd.s32 s21, s3  }
0x9d: {  	[timem:s7], [sflag:s22] =	dma.local [hbm:s5], s20  }
0x9e: {  	_ =	swait.ge [sflag:s22], s20  }
0x9f: {  	s4 =	ssub.s32 $0x0, s20;
	[sflag:s22] =	ssyncset.done $0x0  }
0xa0: {  	[sflag:s22] =	ssyncadd.s32 s4;
	_ =	sdelay $0x1  }
0xa1: {  	s23 =	simm.s32 $0x1B8B  }
0xa2: {  	_ =	swait.ge [sflag:s23], $0x1  }
0xa3: {  	[sflag:s23] =	ssyncset.done $0x0  }
0xa4: {  	s25 =	simm.s32 $0x1B8E;
	s24 =	sld [smem:$0x3FFE];
	[sflag:s23] =	ssyncadd.s32 $0xFFFFFFFF  }
0xa5: {  	s26 =	simm.s32 $execute0_lowered;
	[smem:$0x3FD2] =	sst s25  }
0xa6: {  	s5 =	sshll.u32 s26, $0x1;
	_ =	strace $0x80000049;
	[dreg:$0x1] =	wrdreg $0xFFFFFFFF  }
0xa7: {  	s28 =	simm.s32 $_size_execute0_lowered;
	s3 =	sadd.s32 s3, s5;
	[dreg:$0x0] =	wrdreg $0x0  }
0xa8: {  	s5 =	sshll.u32 s28, $0x1;
	[dreg:$0x2] =	wrdreg s3  }
0xa9: {  	[dreg:$0x3] =	wrdreg s5  }
0xaa: {  	[dreg:$0x4] =	wrdreg $0xC0  }
0xab: {  	_ =	task [dreg:s7], $0x5FFFF  }
0xac: {  	[dreg:$0x1] =	wrdreg $0xFFFFFFFF  }
0xad: {  	[dreg:$0x0] =	wrdreg $0x60  }
0xae: {  	[dreg:$0x2] =	wrdreg s2  }
0xaf: {  	[dreg:$0x3] =	wrdreg s24  }
0xb0: {  	[dreg:$0x4] =	wrdreg $0x0  }
0xb1: {  	[dreg:$0x5] =	wrdreg $0x9  }
0xb2: {  	_ =	task.clear_ibuf [dreg:s7], $0x6FFFF;
	_ =	strace $0x90000049  }
0xb3: {  	s29 =	simm.s32 $0x9;
	_ =	strace $0x8000004B  }
0xb4: {  	_ =	swait.ge [sflag:s29], $0x1  }
0xb5: {  	[sflag:s29] =	ssyncadd.s32 $0xFFFFFFFF  }
0xb6: {  	_ =	strace $0x9000004B  }
0xb7: {  	_ =	sfence  }
0xb8: {  	s30 =	sld [smem:$0x0];
	_ =	sdelay $0x2  }
0xb9: {  	s31 =	sshll.u32 s1, $0xD;
	s1 =	sshrl.u32 s1, $0x2  }
0xba: {  	s3 =	sand.u32 $0x4000, s31;
	s1 =	sadd.s32 s1, s30  }
0xbb: {  	s0 =	sor.u32 s3, s0;
	s1 =	sshll.u32 s1, $0x11  }
0xbc: {  	s0 =	sor.u32 s1, s0  }
0xbd: {  	s0 =	sadd.s32 $0x8F2B, s0  }
0xbe: {  	[sflag:s0] =	ssyncadd.remote.s32 $0x1  }
0xbf: {  	_ =	sfence.sel $0xFFFF  }
0xc0: {  	[dreg:$0x0] =	wrdreg $0xFFFFFFFF;
	(pc) =	sbr.abs _section_cstart, $3  }
0xc1: {  	[dreg:$0x1] =	wrdreg $0xFFFFFFFF  }
0xc2: {  	_ =	task.clear_ibuf [dreg:s7], $0x2FFFF;
	_ =	strace $0x9FFFFFFF  }
0xc3: {  	(tm) =	ssettm $0x7FFFFFFF  }
tec
execute0_lowered:
.L_overlay_start_1:
0x0: {  	(tag) =	ssettag $0x1  }
0x1: {  	s2 =	srdreg.scid  }
0x2: {  	s0 =	stileid.u32;
	s1 =	rddreg [dreg:$0x0]  }
0x3: {  	s6 =	rddreg [dreg:$0x1];
	s14 =	simm.s32 $0x3;
	s19 =	simm.s32 $0x14000  }
0x4: {  	s20 =	simm.s32 $0x15400;
	s21 =	simm.s32 $0x80;
	s22 =	simm.s32 $0x16800  }
0x5: {  	s23 =	simm.s32 $0x14080;
	s24 =	simm.s32 $0x1A800;
	s28 =	simm.s32 $0x16700  }
0x6: {  	s29 =	simm.s32 $0x16780;
	s30 =	simm.s32 $0x0;
	s2 =	sand.u32 $0x1, s2  }
0x7: {  	s3 =	sshll.u32 s0, $0x1;
	s8 =	smul.u32 $0x50000, s0;
	s31 =	sshll.u32 s0, $0x6  }
0x8: {  	s4 =	sor.u32 s2, s3;
	s3 =	rddreg [dreg:$0x2];
	s7 =	sshll.u32 s2, $0x4  }
0x9: {  	s2 =	ssub.s32 $0x2, s2;
	s5 =	smul.u32 $0x2800, s4;
	s4 =	simm.s32 $0x0  }
0xa: {  	s7 =	sor.u32 s0, s7;
	s25 =	sshrl.u32 s2, $0x1;
	s26 =	sshrl.u32 s8, $0x2  }
0xb: {  	[smem:$0x7FF] =	sst s4;
	s7 =	smul.u32 $0x2800, s7;
	s2 =	ssub.s32 s2, s25  }
0xc: {  	s13 =	sadd.s32 s26, s3;
	s25 =	simm.s32 $0x1;
	s26 =	simm.s32 $0x2  }
0xd: {  	s5 =	sshrl.u32 s5, $0x3;
	_ =	strace $0x8000004A;
	s15 =	sadd.s32 $0x4000, s13  }
0xe: {  	s16 =	sadd.s32 $0x8000, s13;
	s17 =	sadd.s32 $0xC000, s13;
	s18 =	sadd.s32 $0x10000, s13  }
0xf: {  	s12 =	smax.u32 s2, $0x1;
	s13 =	sshrl.u32 s13, $0x3;
	s10 =	sadd.s32 s5, s6  }
0x10: {  	s5 =	sadd.s32 $0x16600, s6;
	s11 =	sadd.s32 s7, s6;
	s6 =	sor.u32 $0x1C03, s31  }
0x11: {  	s15 =	sshrl.u32 s15, $0x3;
	s16 =	sshrl.u32 s16, $0x3;
	s17 =	sshrl.u32 s17, $0x3  }
0x12: {  	s18 =	sshrl.u32 s18, $0x3;
	s7 =	sadd.s32 $0x2600, s10;
	s8 =	sadd.s32 $0xC600, s10  }
0x13: {  	s9 =	sadd.s32 $0x2880, s10;
	s10 =	sadd.s32 $0xC880, s10;
	s11 =	sadd.s32 $0x16E00, s11  }
.LBB2_1:
0x14: {  	[spmem:s13], [sflag:s6] =	dma.local [hbm:s5], $0x800  }
0x15: {  	_ =	swait.ge [sflag:s14], $0x800  }
0x16: {  	[sflag:s14] =	ssyncset.done $0x0  }
0x17: {  	[sflag:s14] =	ssyncadd.s32 $0xFFFFF800  }
0x18: {  	[spmem:s15], [sflag:s6] =	dma.local [hbm:s5], $0x800  }
0x19: {  	_ =	swait.ge [sflag:s14], $0x800  }
0x1a: {  	[sflag:s14] =	ssyncset.done $0x0  }
0x1b: {  	[sflag:s14] =	ssyncadd.s32 $0xFFFFF800  }
0x1c: {  	[spmem:s16], [sflag:s6] =	dma.local [hbm:s5], $0x800  }
0x1d: {  	_ =	swait.ge [sflag:s14], $0x800  }
0x1e: {  	[sflag:s14] =	ssyncset.done $0x0  }
0x1f: {  	[sflag:s14] =	ssyncadd.s32 $0xFFFFF800  }
0x20: {  	[spmem:s17], [sflag:s6] =	dma.local [hbm:s5], $0x800  }
0x21: {  	_ =	swait.ge [sflag:s14], $0x800  }
0x22: {  	[sflag:s14] =	ssyncset.done $0x0  }
0x23: {  	[sflag:s14] =	ssyncadd.s32 $0xFFFFF800  }
0x24: {  	[spmem:s18], [sflag:s6] =	dma.local [hbm:s5], $0x800  }
0x25: {  	_ =	swait.ge [sflag:s14], $0x800  }
0x26: {  	[sflag:s14] =	ssyncset.done $0x0  }
0x27: {  	[sflag:s14] =	ssyncadd.s32 $0xFFFFF800  }
0x28: {  	[bflag:$0x0] =	sbarrier.arrive $0xFFFF  }
0x29: {  	[tilespmem:s19], [sflag:$0x3] =	stream.linear.gather [hbm4b:s7+s4], $0x1400, $0x38;
	[tilespmem:$0x1E800] =	vst v63  }
0x2a: {  	_ =	swait.ge [sflag:s14], $0x1400  }
0x2b: {  	[sflag:s14] =	ssyncset.done $0x0  }
0x2c: {  	[sflag:s14] =	ssyncadd.s32 $0xFFFFEC00  }
0x2d: {  	[tilespmem:s20], [sflag:$0x3] =	stream.linear.gather [hbm4b:s8+s4], $0x1400, $0x38;
	[tilespmem:$0x1E800] =	vst v63  }
0x2e: {  	_ =	swait.ge [sflag:s14], $0x1400  }
0x2f: {  	[sflag:s14] =	ssyncset.done $0x0  }
0x30: {  	[sflag:s14] =	ssyncadd.s32 $0xFFFFEC00  }
0x31: {  	[tilespmem:s22], [sflag:$0x1] =	stream.indirect.gather [hbm4b:s1+s21], $0x80, s19, s21, $0xb8;
	[tilespmem:$0x1E800] =	vst v63  }
0x32: {  	_ = 	snop  }
0x33: {  	[tilespmem:s24], [sflag:$0x2] =	stream.indirect.gather [hbm4b:s1+s21], $0x80, s23, s21, $0xb8;
	[tilespmem:$0x1E800] =	vst v63  }
0x34: {  	_ =	swait.ge [sflag:s25], $0x4000  }
0x35: {  	[sflag:s25] =	ssyncset.done $0x0  }
0x36: {  	s2 =	simm.s32 $0x15400;
	[sflag:s25] =	ssyncadd.s32 $0xFFFFC000  }
0x37: {  	[spmem:s3] =	stream.indirect.scatter.add.f32 [tilespmem:s22], [sflag:$0x3], $0x80, s2, s21, $0xb8;
	[tilespmem:$0x1E800] =	vst v63  }
0x38: {  	_ =	swait.ge [sflag:s14], $0x4000  }
0x39: {  	[sflag:s14] =	ssyncset.done $0x0  }
0x3a: {  	s0 =	simm.s32 $0x14100;
	[sflag:s14] =	ssyncadd.s32 $0xFFFFC000  }
0x3b: {  	[tilespmem:s22], [sflag:$0x1] =	stream.indirect.gather [hbm4b:s1+s21], $0x80, s0, s21, $0xb8;
	[tilespmem:$0x1E800] =	vst v63  }
0x3c: {  	_ =	swait.ge [sflag:s26], $0x4000  }
0x3d: {  	[sflag:s26] =	ssyncset.done $0x0  }
0x3e: {  	s0 =	simm.s32 $0x15480;
	[sflag:s26] =	ssyncadd.s32 $0xFFFFC000  }
0x3f: {  	[spmem:s3] =	stream.indirect.scatter.add.f32 [tilespmem:s24], [sflag:$0x3], $0x80, s0, s21, $0xb8;
	[tilespmem:$0x1E800] =	vst v63  }
0x40: {  	_ =	swait.ge [sflag:s14], $0x4000  }
0x41: {  	[sflag:s14] =	ssyncset.done $0x0  }
0x42: {  	s31 =	simm.s32 $0x400;
	s2 =	simm.s32 $0x14180;
	[sflag:s14] =	ssyncadd.s32 $0xFFFFC000  }
.LBB2_2:
0x43: {  	[tilespmem:s24], [sflag:$0x2] =	stream.indirect.gather [hbm4b:s1+s21], $0x80, s2, s21, $0xb8;
	[tilespmem:$0x1E800] =	vst v63  }
0x44: {  	s2 =	smov.u32 s31  }
0x45: {  	p0 =	sne.s32 s31, $0x4800;
	s31 =	sadd.s32 $0x400, s31;
	_ =	swait.ge [sflag:s25], $0x4000  }
0x46: {  	s2 =	sshra.s32 s2, $0x2;
	[sflag:s25] =	ssyncset.done $0x0  }
0x47: {  	s0 =	sadd.s32 $0x15400, s2;
	[sflag:s25] =	ssyncadd.s32 $0xFFFFC000  }
0x48: {  	[spmem:s3] =	stream.indirect.scatter.add.f32 [tilespmem:s22], [sflag:$0x3], $0x80, s0, s21, $0xb8;
	[tilespmem:$0x1E800] =	vst v63  }
0x49: {  	_ =	swait.ge [sflag:s14], $0x4000  }
0x4a: {  	[sflag:s14] =	ssyncset.done $0x0  }
0x4b: {  	s0 =	sadd.s32 $0x14100, s2;
	[sflag:s14] =	ssyncadd.s32 $0xFFFFC000  }
0x4c: {  	[tilespmem:s22], [sflag:$0x1] =	stream.indirect.gather [hbm4b:s1+s21], $0x80, s0, s21, $0xb8;
	[tilespmem:$0x1E800] =	vst v63  }
0x4d: {  	_ =	swait.ge [sflag:s26], $0x4000  }
0x4e: {  	[sflag:s26] =	ssyncset.done $0x0  }
.Ltmp0:
0x4f: {  	s0 =	sadd.s32 $0x15480, s2;
	[sflag:s26] =	ssyncadd.s32 $0xFFFFC000;
	(pc) =	sbr.rel @p0 .LBB2_2-.Ltmp0, $4  }
0x50: {  	[spmem:s3] =	stream.indirect.scatter.add.f32 [tilespmem:s24], [sflag:$0x3], $0x80, s0, s21, $0xb8;
	[tilespmem:$0x1E800] =	vst v63  }
0x51: {  	_ =	swait.ge [sflag:s14], $0x4000  }
0x52: {  	[sflag:s14] =	ssyncset.done $0x0  }
0x53: {  	s2 =	sadd.s32 $0x14180, s2;
	[sflag:s14] =	ssyncadd.s32 $0xFFFFC000  }
0x54: {  	[tilespmem:s24], [sflag:$0x2] =	stream.indirect.gather [hbm4b:s1+s21], $0x80, s2, s21, $0xb8;
	[tilespmem:$0x1E800] =	vst v63  }
0x55: {  	_ =	swait.ge [sflag:s25], $0x4000  }
0x56: {  	[sflag:s25] =	ssyncset.done $0x0  }
0x57: {  	[sflag:s25] =	ssyncadd.s32 $0xFFFFC000  }
0x58: {  	[spmem:s3] =	stream.indirect.scatter.add.f32 [tilespmem:s22], [sflag:$0x3], $0x80, s28, s21, $0xb8;
	[tilespmem:$0x1E800] =	vst v63  }
0x59: {  	_ =	swait.ge [sflag:s14], $0x4000  }
0x5a: {  	[sflag:s14] =	ssyncset.done $0x0  }
0x5b: {  	[sflag:s14] =	ssyncadd.s32 $0xFFFFC000  }
0x5c: {  	_ =	swait.ge [sflag:s26], $0x4000  }
0x5d: {  	[sflag:s26] =	ssyncset.done $0x0  }
0x5e: {  	[sflag:s26] =	ssyncadd.s32 $0xFFFFC000  }
0x5f: {  	[spmem:s3] =	stream.indirect.scatter.add.f32 [tilespmem:s24], [sflag:$0x3], $0x80, s29, s21, $0xb8;
	[tilespmem:$0x1E800] =	vst v63  }
0x60: {  	_ =	swait.ge [sflag:s14], $0x4000  }
0x61: {  	[sflag:s14] =	ssyncset.done $0x0  }
0x62: {  	s0 =	simm.s32 $0x0;
	[sflag:s14] =	ssyncadd.s32 $0xFFFFC000  }
0x63: {  	[tilespmem:s19], [sflag:$0x3] =	stream.linear.gather [hbm4b:s9+s0], $0x1400, $0x38;
	[tilespmem:$0x1E800] =	vst v63  }
0x64: {  	_ =	swait.ge [sflag:s14], $0x1400  }
0x65: {  	[sflag:s14] =	ssyncset.done $0x0  }
0x66: {  	[sflag:s14] =	ssyncadd.s32 $0xFFFFEC00  }
0x67: {  	[tilespmem:s20], [sflag:$0x3] =	stream.linear.gather [hbm4b:s10+s0], $0x1400, $0x38;
	[tilespmem:$0x1E800] =	vst v63  }
0x68: {  	_ =	swait.ge [sflag:s14], $0x1400  }
0x69: {  	[sflag:s14] =	ssyncset.done $0x0  }
0x6a: {  	[sflag:s14] =	ssyncadd.s32 $0xFFFFEC00  }
0x6b: {  	[tilespmem:s22], [sflag:$0x1] =	stream.indirect.gather [hbm4b:s1+s21], $0x80, s19, s21, $0xb8;
	[tilespmem:$0x1E800] =	vst v63  }
0x6c: {  	_ = 	snop  }
0x6d: {  	[tilespmem:s24], [sflag:$0x2] =	stream.indirect.gather [hbm4b:s1+s21], $0x80, s23, s21, $0xb8;
	[tilespmem:$0x1E800] =	vst v63  }
0x6e: {  	_ =	swait.ge [sflag:s25], $0x4000  }
0x6f: {  	[sflag:s25] =	ssyncset.done $0x0  }
0x70: {  	s2 =	simm.s32 $0x15400;
	[sflag:s25] =	ssyncadd.s32 $0xFFFFC000  }
0x71: {  	[spmem:s3] =	stream.indirect.scatter.add.f32 [tilespmem:s22], [sflag:$0x3], $0x80, s2, s21, $0xb8;
	[tilespmem:$0x1E800] =	vst v63  }
0x72: {  	_ =	swait.ge [sflag:s14], $0x4000  }
0x73: {  	[sflag:s14] =	ssyncset.done $0x0  }
0x74: {  	s2 =	simm.s32 $0x14100;
	[sflag:s14] =	ssyncadd.s32 $0xFFFFC000  }
0x75: {  	[tilespmem:s22], [sflag:$0x1] =	stream.indirect.gather [hbm4b:s1+s21], $0x80, s2, s21, $0xb8;
	[tilespmem:$0x1E800] =	vst v63  }
0x76: {  	_ =	swait.ge [sflag:s26], $0x4000  }
0x77: {  	[sflag:s26] =	ssyncset.done $0x0  }
0x78: {  	s2 =	simm.s32 $0x15480;
	[sflag:s26] =	ssyncadd.s32 $0xFFFFC000  }
0x79: {  	[spmem:s3] =	stream.indirect.scatter.add.f32 [tilespmem:s24], [sflag:$0x3], $0x80, s2, s21, $0xb8;
	[tilespmem:$0x1E800] =	vst v63  }
0x7a: {  	_ =	swait.ge [sflag:s14], $0x4000  }
0x7b: {  	[sflag:s14] =	ssyncset.done $0x0  }
0x7c: {  	s31 =	simm.s32 $0x400;
	s2 =	simm.s32 $0x14180;
	[sflag:s14] =	ssyncadd.s32 $0xFFFFC000  }
.LBB2_4:
0x7d: {  	[tilespmem:s24], [sflag:$0x2] =	stream.indirect.gather [hbm4b:s1+s21], $0x80, s2, s21, $0xb8;
	[tilespmem:$0x1E800] =	vst v63  }
0x7e: {  	s0 =	smov.u32 s31  }
0x7f: {  	p0 =	sne.s32 s31, $0x4800;
	s31 =	sadd.s32 $0x400, s31;
	_ =	swait.ge [sflag:s25], $0x4000  }
0x80: {  	s0 =	sshra.s32 s0, $0x2;
	[sflag:s25] =	ssyncset.done $0x0  }
0x81: {  	s2 =	sadd.s32 $0x15400, s0;
	[sflag:s25] =	ssyncadd.s32 $0xFFFFC000  }
0x82: {  	[spmem:s3] =	stream.indirect.scatter.add.f32 [tilespmem:s22], [sflag:$0x3], $0x80, s2, s21, $0xb8;
	[tilespmem:$0x1E800] =	vst v63  }
0x83: {  	_ =	swait.ge [sflag:s14], $0x4000  }
0x84: {  	[sflag:s14] =	ssyncset.done $0x0  }
0x85: {  	s2 =	sadd.s32 $0x14100, s0;
	[sflag:s14] =	ssyncadd.s32 $0xFFFFC000  }
0x86: {  	[tilespmem:s22], [sflag:$0x1] =	stream.indirect.gather [hbm4b:s1+s21], $0x80, s2, s21, $0xb8;
	[tilespmem:$0x1E800] =	vst v63  }
0x87: {  	_ =	swait.ge [sflag:s26], $0x4000  }
0x88: {  	[sflag:s26] =	ssyncset.done $0x0  }
.Ltmp1:
0x89: {  	s2 =	sadd.s32 $0x15480, s0;
	[sflag:s26] =	ssyncadd.s32 $0xFFFFC000;
	(pc) =	sbr.rel @p0 .LBB2_4-.Ltmp1, $4  }
0x8a: {  	[spmem:s3] =	stream.indirect.scatter.add.f32 [tilespmem:s24], [sflag:$0x3], $0x80, s2, s21, $0xb8;
	[tilespmem:$0x1E800] =	vst v63  }
0x8b: {  	_ =	swait.ge [sflag:s14], $0x4000  }
0x8c: {  	[sflag:s14] =	ssyncset.done $0x0  }
0x8d: {  	s2 =	sadd.s32 $0x14180, s0;
	[sflag:s14] =	ssyncadd.s32 $0xFFFFC000  }
0x8e: {  	[tilespmem:s24], [sflag:$0x2] =	stream.indirect.gather [hbm4b:s1+s21], $0x80, s2, s21, $0xb8;
	[tilespmem:$0x1E800] =	vst v63  }
0x8f: {  	_ =	swait.ge [sflag:s25], $0x4000  }
0x90: {  	[sflag:s25] =	ssyncset.done $0x0  }
0x91: {  	[sflag:s25] =	ssyncadd.s32 $0xFFFFC000  }
0x92: {  	[spmem:s3] =	stream.indirect.scatter.add.f32 [tilespmem:s22], [sflag:$0x3], $0x80, s28, s21, $0xb8;
	[tilespmem:$0x1E800] =	vst v63  }
0x93: {  	_ =	swait.ge [sflag:s14], $0x4000  }
0x94: {  	[sflag:s14] =	ssyncset.done $0x0  }
0x95: {  	[sflag:s14] =	ssyncadd.s32 $0xFFFFC000  }
0x96: {  	_ =	swait.ge [sflag:s26], $0x4000  }
0x97: {  	[sflag:s26] =	ssyncset.done $0x0  }
0x98: {  	[sflag:s26] =	ssyncadd.s32 $0xFFFFC000  }
0x99: {  	[spmem:s3] =	stream.indirect.scatter.add.f32 [tilespmem:s24], [sflag:$0x3], $0x80, s29, s21, $0xb8;
	[tilespmem:$0x1E800] =	vst v63  }
0x9a: {  	_ =	swait.ge [sflag:s14], $0x4000  }
0x9b: {  	s30 =	sadd.s32 $0x1, s30;
	[sflag:s14] =	ssyncset.done $0x0  }
0x9c: {  	p0 =	sne.s32 s30, s12;
	[sflag:s14] =	ssyncadd.s32 $0xFFFFC000  }
.Ltmp2:
0x9d: {  	[bflag:$0x0] =	sbarrier.arrive $0xFFFF;
	(pc) =	sbr.rel @p0 .LBB2_1-.Ltmp2, $4  }
0x9e: {  	[hbm:s11], [sflag:s6] =	dma.local [spmem:s13], $0x2800  }
0x9f: {  	_ =	swait.ge [sflag:s14], $0x2800  }
0xa0: {  	[sflag:s14] =	ssyncset.done $0x0  }
0xa1: {  	[sflag:s14] =	ssyncadd.s32 $0xFFFFD800  }
0xa2: {  	_ =	sfence.sel $0x180000  }
0xa3: {  	[bflag:$0x0] =	sbarrier.arrive $0xFFFF  }
0xa4: {  	_ =	strace $0x9000004A  }
0xa5: {  	s0 =	stileid.u32;
	[bflag:$0x2] =	sbarrier.arrive $0xFFFF  }
0xa6: {  	p0 =	sne.s32 s0, $0x0;
	s0 =	rddreg [dreg:$0x3]  }
0xa7: {  	s0 =	sadd.s32 @!p0 $0x100000, s0  }
0xa8: {  	[sflag:s0] =	ssyncadd.tile.s32 @!p0 $0x1;
	_ =	shalt  }
.Lfunc_end2:
_tile_overlayer_lowered:
.L_overlay_start_2:
0xa9: {  	(tag) =	ssettag $0x2  }
0xaa: {  	s0 =	rddreg [dreg:$0x0];
	s2 =	stileid.u32  }
0xab: {  	s1 =	rddreg [dreg:$0x1];
	p0 =	sne.s32 s2, $0x0  }
0xac: {  	s3 =	rddreg [dreg:$0x2];
	[bflag:$0x3] =	sbarrier.arrive $0xFFFF;
	s2 =	simm.s32 @!p0 $0x1C03  }
0xad: {  	[timem:s3], [sflag:s2] =	dma.local @!p0 [hbm:s0], s1  }
0xae: {  	s0 =	simm.s32 @!p0 $0x3  }
0xaf: {  	_ =	swait.ge @!p0 [sflag:s0], s1  }
0xb0: {  	s1 =	ssub.s32 @!p0 $0x0, s1;
	[sflag:s0] =	ssyncset.done @!p0 $0x0  }
0xb1: {  	[sflag:s0] =	ssyncadd.s32 @!p0 s1  }
0xb2: {  	[bflag:$0x3] =	sbarrier.arrive $0xFFFF  }
0xb3: {  	_ =	shalt  }

// kernel: kernel.7.cloned.1.call-start
scs
__scs_entry_jumppad:
0x0: {  	(pc) =	sbr.rel $0x88, $3  }
0x1: {  	(tag) =	ssettag $0x0;
	lr =	simm.s32 $0x1  }
0x2: {  	[smem:$0x3F9B] =	sst lr;
	_ =	strace $0xD0000000  }
0x3: {  	_ = 	snop  }
0x4: {  	_ = 	snop  }
0x5: {  	_ = 	snop  }
0x6: {  	_ = 	snop  }
0x7: {  	_ = 	snop  }
__scs_overlays_trampoline_lowered:
0x8: {  	[smem:$0x3FAA] =	sst s0  }
0x9: {  	[smem:$0x3FAB] =	sst s1  }
0xa: {  	[smem:$0x3FAC] =	sst s2  }
0xb: {  	[smem:$0x3FAD] =	sst s3  }
0xc: {  	[smem:$0x3FAE] =	sst s4  }
0xd: {  	[smem:$0x3FAF] =	sst s5  }
0xe: {  	[smem:$0x3FB0] =	sst s6  }
0xf: {  	[smem:$0x3FB1] =	sst s7  }
0x10: {  	[smem:$0x3FB2] =	sst s8  }
0x11: {  	[smem:$0x3FB3] =	sst s9;
	s0 =	simm.s32 @!p0 $0x0  }
0x12: {  	s1 =	sld [smem:$0x3F99];
	s0 =	simm.s32 @p0 $0x1  }
0x13: {  	[smem:$0x3FB4] =	sst s0;
	s0 =	simm.s32 @!p1 $0x0  }
0x14: {  	s2 =	sld [smem:$0x3F98];
	s0 =	simm.s32 @p1 $0x1  }
0x15: {  	[smem:$0x3FB5] =	sst s0;
	s0 =	simm.s32 @!p2 $0x0  }
0x16: {  	s3 =	sld [smem:$0x3FDB];
	s0 =	simm.s32 @p2 $0x1  }
0x17: {  	s4 =	simm.s32 $0x1BF5;
	[smem:$0x3FB7] =	sst s0  }
0x18: {  	s0 =	sld [smem:$0x3F9A];
	_ =	swait.ge [sflag:s4], $0x0  }
0x19: {  	s7 =	sld [smem:$0x3F9B]  }
0x1a: {  	s8 =	sadd.s32 $0xFFFFE003, lr  }
0x1b: {  	s9 =	sadd.s32 $0xFFFFFEF7, lr;
	s5 =	simm.s32 $0xFFFFFFFF;
	p2 =	slt.u32 s8, $0xFFFFF086  }
0x1c: {  	p1 =	slt.u32 s9, $0xF7A;
	s5 =	simm.s32 @!p2 $0x0  }
0x1d: {  	s5 =	simm.s32 @p1 $0x1;
	p0 =	seq.s32 s7, s2  }
0x1e: {  	s7 =	smul.u32 @!p0 $0xF7A, s2;
	p2 =	seq.s32 @!p0 s5, $0x0  }
0x1f: {  	s9 =	smul.u32 $0xF7A, s1;
	s8 =	simm.s32 @!p0 $0x1BF5;
	p2 =	por !p2, p0  }
0x20: {  	[sflag:s8] =	ssyncset.s32 @!p0 $0xFFFFF086;
	s6 =	sadd.s32 @!p0 s3, s7;
	s7 =	simm.s32 @!p0 $0x108  }
0x21: {  	s3 =	sadd.s32 s3, s9;
	s6 =	sadd.s32 @!p0 $0x88, s6;
	s7 =	simm.s32 @p2 $0x1082  }
0x22: {  	[simem:s7], [sflag:s8] =	dma.local @!p0 [hbm:s6], $0xF7A  }
0x23: {  	s9 =	sor.u32 $0xD0000000, s2;
	s6 =	simm.s32 $0x108;
	_ =	swait.ge @!p0 [sflag:s8], $0x0  }
0x24: {  	s3 =	sadd.s32 $0x88, s3;
	s6 =	simm.s32 @!p1 $0x1082;
	[sflag:s4] =	ssyncset.s32 $0xFFFFF086  }
0x25: {  	[simem:s6], [sflag:s4] =	dma.local [hbm:s3], $0xF7A  }
0x26: {  	[smem:$0x3F9B] =	sst s1;
	(tag) =	ssettag s2;
	_ =	strace s9  }
0x27: {  	s1 =	sld [smem:$0x3FAB]  }
0x28: {  	s2 =	sld [smem:$0x3FAC]  }
0x29: {  	s4 =	sld [smem:$0x3FAE]  }
0x2a: {  	p0 =	seq.s32 s5, $0x0;
	s5 =	sld [smem:$0x3FAF]  }
0x2b: {  	s6 =	sld [smem:$0x3FB0]  }
0x2c: {  	s7 =	sld [smem:$0x3FB1]  }
0x2d: {  	s3 =	simm.s32 $0x108;
	s8 =	sld [smem:$0x3FB2]  }
0x2e: {  	s3 =	simm.s32 @!p0 $0x1082;
	s9 =	sld [smem:$0x3FB3]  }
0x2f: {  	lr =	sadd.s32 s0, s3;
	s0 =	sld [smem:$0x3FAA]  }
0x30: {  	s3 =	sld [smem:$0x3FAD]  }
0x31: {  	[smem:$0x3FB6] =	sst s10  }
0x32: {  	s10 =	sld [smem:$0x3FB4];
	_ =	sdelay $0x3  }
0x33: {  	p0 =	seq.s32 s10, $0x1;
	s10 =	sld [smem:$0x3FB6];
	_ =	sdelay $0x3  }
0x34: {  	[smem:$0x3FB6] =	sst s10  }
0x35: {  	s10 =	sld [smem:$0x3FB5];
	_ =	sdelay $0x3  }
0x36: {  	p1 =	seq.s32 s10, $0x1;
	s10 =	sld [smem:$0x3FB6];
	_ =	sdelay $0x3  }
0x37: {  	[smem:$0x3FB6] =	sst s10  }
0x38: {  	s10 =	sld [smem:$0x3FB7]  }
0x39: {  	_ = 	snop;
	(pc) =	sbr.ind lr, $3  }
0x3a: {  	_ = 	snop  }
0x3b: {  	_ = 	snop  }
0x3c: {  	p2 =	seq.s32 s10, $0x1;
	s10 =	sld [smem:$0x3FB6]  }
0x3d: {  	_ =	shalt  }
0x3e: {  	_ =	shalt  }
0x3f: {  	_ =	shalt  }
0x40: {  	_ =	shalt  }
0x41: {  	_ =	shalt  }
0x42: {  	_ =	shalt  }
0x43: {  	_ =	shalt  }
0x44: {  	_ =	shalt  }
0x45: {  	_ =	shalt  }
0x46: {  	_ =	shalt  }
0x47: {  	_ =	shalt  }
0x48: {  	_ =	shalt  }
0x49: {  	_ =	shalt  }
0x4a: {  	_ =	shalt  }
0x4b: {  	_ =	shalt  }
0x4c: {  	_ =	shalt  }
0x4d: {  	_ =	shalt  }
0x4e: {  	_ =	shalt  }
0x4f: {  	_ =	shalt  }
0x50: {  	_ =	shalt  }
0x51: {  	_ =	shalt  }
0x52: {  	_ =	shalt  }
0x53: {  	_ =	shalt  }
0x54: {  	_ =	shalt  }
0x55: {  	_ =	shalt  }
0x56: {  	_ =	shalt  }
0x57: {  	_ =	shalt  }
0x58: {  	_ =	shalt  }
0x59: {  	_ =	shalt  }
0x5a: {  	_ =	shalt  }
0x5b: {  	_ =	shalt  }
0x5c: {  	_ =	shalt  }
0x5d: {  	_ =	shalt  }
0x5e: {  	_ =	shalt  }
0x5f: {  	_ =	shalt  }
0x60: {  	_ =	shalt  }
0x61: {  	_ =	shalt  }
0x62: {  	_ =	shalt  }
0x63: {  	_ =	shalt  }
0x64: {  	_ =	shalt  }
0x65: {  	_ =	shalt  }
0x66: {  	_ =	shalt  }
0x67: {  	_ =	shalt  }
0x68: {  	_ =	shalt  }
0x69: {  	_ =	shalt  }
0x6a: {  	_ =	shalt  }
0x6b: {  	_ =	shalt  }
0x6c: {  	_ =	shalt  }
0x6d: {  	_ =	shalt  }
0x6e: {  	_ =	shalt  }
0x6f: {  	_ =	shalt  }
0x70: {  	_ =	shalt  }
0x71: {  	_ =	shalt  }
0x72: {  	_ =	shalt  }
0x73: {  	_ =	shalt  }
0x74: {  	_ =	shalt  }
0x75: {  	_ =	shalt  }
0x76: {  	_ =	shalt  }
0x77: {  	_ =	shalt  }
0x78: {  	_ =	shalt  }
0x79: {  	_ =	shalt  }
0x7a: {  	_ =	shalt  }
0x7b: {  	_ =	shalt  }
0x7c: {  	_ =	shalt  }
0x7d: {  	_ =	shalt  }
0x7e: {  	_ =	shalt  }
0x7f: {  	_ =	shalt  }
0x80: {  	_ =	shalt  }
0x81: {  	_ =	shalt  }
0x82: {  	_ =	shalt  }
0x83: {  	_ =	shalt  }
0x84: {  	_ =	shalt  }
0x85: {  	_ =	shalt  }
0x86: {  	_ =	shalt  }
0x87: {  	_ =	shalt  }
.Lfunc_end0:
.L_simem_size_0:
called_computation_lowered:
.L_overlay_start_0:
0x88: {  	s2 =	sld [smem:$0x3FD9]  }
0x89: {  	s3 =	sld [smem:$0x3FFE];
	_ =	sdelay $0x1  }
0x8a: {  	s1 =	srdreg.scid  }
0x8b: {  	s0 =	sand.u32 $0x1, s1  }
0x8c: {  	s17 =	sshll.u32 s0, $0xA;
	s2 =	sadd.s32 s3, s2  }
0x8d: {  	s2 =	sadd.s32 s2, s17  }
0x8e: {  	[smem:$0x3FC2] =	sst s2  }
0x8f: {  	_ = 	snop  }
0x90: {  	s2 =	sld [smem:$0x3FD0];
	(tm) =	ssettm $0x1  }
0x91: {  	s18 =	sld [smem:$0x3FFB];
	_ =	sdelay $0x3  }
0x92: {  	_ =	strace s18  }
0x93: {  	s3 =	sld [smem:$0x3FFC];
	_ =	sdelay $0x3  }
0x94: {  	_ =	strace s3  }
0x95: {  	s3 =	sld [smem:$0x3FFD];
	_ =	sdelay $0x3  }
0x96: {  	_ =	strace s3  }
0x97: {  	_ =	strace $0x8FFFFFFF  }
0x98: {  	s19 =	sld [smem:$0x3FDB];
	_ =	sdelay $0x1  }
0x99: {  	s4 =	simm.s32 $_scs_section_size  }
0x9a: {  	s5 =	simm.s32 $_size__tile_overlayer_lowered;
	s6 =	simm.s32 $_tile_overlayer_lowered  }
0x9b: {  	s22 =	simm.s32 $0x1BFF;
	s21 =	sshll.u32 s6, $0x1;
	s3 =	sadd.s32 s4, s19  }
0x9c: {  	s7 =	simm.s32 $0x0;
	s20 =	sshll.u32 s5, $0x1;
	s5 =	sadd.s32 s21, s3  }
0x9d: {  	[timem:s7], [sflag:s22] =	dma.local [hbm:s5], s20  }
0x9e: {  	_ =	swait.ge [sflag:s22], s20  }
0x9f: {  	s4 =	ssub.s32 $0x0, s20;
	[sflag:s22] =	ssyncset.done $0x0  }
0xa0: {  	[sflag:s22] =	ssyncadd.s32 s4;
	_ =	sdelay $0x1  }
0xa1: {  	s23 =	simm.s32 $0x1B8B  }
0xa2: {  	_ =	swait.ge [sflag:s23], $0x1  }
0xa3: {  	[sflag:s23] =	ssyncset.done $0x0  }
0xa4: {  	s25 =	simm.s32 $0x1B8E;
	s24 =	sld [smem:$0x3FFE];
	[sflag:s23] =	ssyncadd.s32 $0xFFFFFFFF  }
0xa5: {  	s26 =	simm.s32 $execute0_lowered;
	[smem:$0x3FD2] =	sst s25  }
0xa6: {  	s5 =	sshll.u32 s26, $0x1;
	_ =	strace $0x80000046;
	[dreg:$0x1] =	wrdreg $0xFFFFFFFF  }
0xa7: {  	s28 =	simm.s32 $_size_execute0_lowered;
	s3 =	sadd.s32 s3, s5;
	[dreg:$0x0] =	wrdreg $0x0  }
0xa8: {  	s5 =	sshll.u32 s28, $0x1;
	[dreg:$0x2] =	wrdreg s3  }
0xa9: {  	[dreg:$0x3] =	wrdreg s5  }
0xaa: {  	[dreg:$0x4] =	wrdreg $0xC0  }
0xab: {  	_ =	task [dreg:s7], $0x5FFFF  }
0xac: {  	[dreg:$0x1] =	wrdreg $0xFFFFFFFF  }
0xad: {  	[dreg:$0x0] =	wrdreg $0x60  }
0xae: {  	[dreg:$0x2] =	wrdreg s24  }
0xaf: {  	[dreg:$0x3] =	wrdreg s2  }
0xb0: {  	[dreg:$0x4] =	wrdreg $0x9  }
0xb1: {  	_ =	task.clear_ibuf [dreg:s7], $0x5FFFF;
	_ =	strace $0x90000046  }
0xb2: {  	s29 =	simm.s32 $0x9;
	_ =	strace $0x80000048  }
0xb3: {  	_ =	swait.ge [sflag:s29], $0x1  }
0xb4: {  	[sflag:s29] =	ssyncadd.s32 $0xFFFFFFFF  }
0xb5: {  	_ =	strace $0x90000048  }
0xb6: {  	_ =	sfence  }
0xb7: {  	s30 =	sld [smem:$0x0];
	_ =	sdelay $0x2  }
0xb8: {  	s31 =	sshll.u32 s1, $0xD;
	s1 =	sshrl.u32 s1, $0x2  }
0xb9: {  	s3 =	sand.u32 $0x4000, s31;
	s1 =	sadd.s32 s1, s30  }
0xba: {  	s0 =	sor.u32 s3, s0;
	s1 =	sshll.u32 s1, $0x11  }
0xbb: {  	s0 =	sor.u32 s1, s0  }
0xbc: {  	s0 =	sadd.s32 $0x8F2B, s0  }
0xbd: {  	[sflag:s0] =	ssyncadd.remote.s32 $0x1  }
0xbe: {  	_ =	sfence.sel $0xFFFF  }
0xbf: {  	[dreg:$0x0] =	wrdreg $0xFFFFFFFF;
	(pc) =	sbr.abs _section_cstart, $3  }
0xc0: {  	[dreg:$0x1] =	wrdreg $0xFFFFFFFF  }
0xc1: {  	_ =	task.clear_ibuf [dreg:s7], $0x2FFFF;
	_ =	strace $0x9FFFFFFF  }
0xc2: {  	(tm) =	ssettm $0x7FFFFFFF  }
0xc3: {  	_ =	shalt  }
tec
execute0_lowered:
.L_overlay_start_1:
0x0: {  	(tag) =	ssettag $0x1  }
0x1: {  	s4 =	rddreg [dreg:$0x0];
	s1 =	srdreg.scid  }
0x2: {  	s0 =	stileid.u32;
	s5 =	rddreg [dreg:$0x1];
	s2 =	simm.s32 $0x0  }
0x3: {  	s3 =	sand.u32 $0x1, s1;
	s6 =	sshll.u32 s0, $0x1;
	s1 =	rddreg [dreg:$0x2]  }
0x4: {  	[smem:$0x7FF] =	sst s2;
	s6 =	sor.u32 s3, s6  }
0x5: {  	_ =	strace $0x80000047;
	s8 =	ssub.s32 $0x2, s3;
	s7 =	smul.u32 $0x2800, s6  }
0x6: {  	s3 =	sadd.s32 $0x16600, s4;
	s9 =	sshrl.u32 s8, $0x1;
	s6 =	smul.u32 $0x500, s6  }
0x7: {  	s8 =	ssub.s32 s8, s9;
	s9 =	simm.s32 $0x0;
	s7 =	sshrl.u32 s7, $0x3  }
0x8: {  	s5 =	sadd.s32 s5, s6;
	s6 =	smax.u32 s8, $0x1;
	s4 =	sadd.s32 s4, s7  }
0x9: {  	v0 =	vimm.f32 $1.000000000e+00;
	s8 =	simm.s32 $0x2800;
	s7 =	simm.s32 $0x1;
	s4 =	sadd.s32 $0xC600, s4  }
.LBB2_1:
0xa: {  	[tilespmem:s2], [sflag:$0x1] =	stream.linear.gather [hbm4b:s3+s2], $0x2800, $0x38;
	[tilespmem:$0x5000] =	vst v63  }
0xb: {  	_ =	swait.ge [sflag:s7], $0x2800  }
0xc: {  	[sflag:s7] =	ssyncset.done $0x0  }
0xd: {  	[sflag:s7] =	ssyncadd.s32 $0xFFFFD800  }
0xe: {  	[tilespmem:s8], [sflag:$0x1] =	stream.linear.gather [hbm4b:s4+s2], $0x2800, $0x38;
	[tilespmem:$0x5000] =	vst v63  }
0xf: {  	_ =	swait.ge [sflag:s7], $0x2800  }
0x10: {  	[sflag:s7] =	ssyncset.done $0x0  }
0x11: {  	s10 =	simm.s32 $0x0;
	[sflag:s7] =	ssyncadd.s32 $0xFFFFD800  }
.LBB2_2:
0x12: {  	s11 =	sshra.s32 s10, $0x2  }
0x13: {  	v1 =	vld [tilespmem:s11+$0x2800];
	_ =	sdelay $0x7  }
0x14: {  	[tilespmem:v1+s2+$0x0] =	vst.idx.add.f32.msk $0xffff, v0  }
0x15: {  	v1 =	vld [tilespmem:s11+$0x2810];
	_ =	sdelay $0x7  }
0x16: {  	[tilespmem:v1+s2+$0x0] =	vst.idx.add.f32.msk $0xffff, v0  }
0x17: {  	v1 =	vld [tilespmem:s11+$0x2820];
	_ =	sdelay $0x7  }
0x18: {  	[tilespmem:v1+s2+$0x0] =	vst.idx.add.f32.msk $0xffff, v0  }
0x19: {  	v1 =	vld [tilespmem:s11+$0x2830];
	_ =	sdelay $0x7  }
0x1a: {  	[tilespmem:v1+s2+$0x0] =	vst.idx.add.f32.msk $0xffff, v0  }
0x1b: {  	v1 =	vld [tilespmem:s11+$0x2840];
	_ =	sdelay $0x7  }
0x1c: {  	[tilespmem:v1+s2+$0x0] =	vst.idx.add.f32.msk $0xffff, v0  }
0x1d: {  	v1 =	vld [tilespmem:s11+$0x2850];
	_ =	sdelay $0x7  }
0x1e: {  	[tilespmem:v1+s2+$0x0] =	vst.idx.add.f32.msk $0xffff, v0  }
0x1f: {  	v1 =	vld [tilespmem:s11+$0x2860];
	_ =	sdelay $0x7  }
0x20: {  	[tilespmem:v1+s2+$0x0] =	vst.idx.add.f32.msk $0xffff, v0  }
0x21: {  	v1 =	vld [tilespmem:s11+$0x2870];
	_ =	sdelay $0x2  }
0x22: {  	p0 =	sne.s32 s10, $0x9E00  }
.Ltmp0:
0x23: {  	_ = 	snop;
	(pc) =	sbr.rel @p0 .LBB2_2-.Ltmp0, $2  }
0x24: {  	_ =	sdelay $0x2  }
0x25: {  	s10 =	sadd.s32 $0x200, s10;
	[tilespmem:v1+s2+$0x0] =	vst.idx.add.f32.msk $0xffff, v0  }
0x26: {  	s9 =	sadd.s32 $0x1, s9  }
0x27: {  	p0 =	sne.s32 s9, s6  }
.Ltmp1:
0x28: {  	_ = 	snop;
	(pc) =	sbr.rel @p0 .LBB2_1-.Ltmp1, $4  }
0x29: {  	[hbm4b:s5+s2] =	stream.linear.scatter [tilespmem:s2], [sflag:$0x1], $0x2800, $0x38;
	[tilespmem:$0x5000] =	vst v63  }
0x2a: {  	_ =	swait.ge [sflag:s7], $0x2800  }
0x2b: {  	[sflag:s7] =	ssyncset.done $0x0  }
0x2c: {  	[sflag:s7] =	ssyncadd.s32 $0xFFFFD800  }
0x2d: {  	_ =	sfence.sel $0x180000  }
0x2e: {  	[bflag:$0x0] =	sbarrier.arrive $0xFFFF  }
0x2f: {  	p0 =	sne.s32 s0, $0x0;
	_ =	strace $0x90000047  }
0x30: {  	s0 =	sadd.s32 @!p0 $0x100000, s1;
	[bflag:$0x2] =	sbarrier.arrive $0xFFFF  }
0x31: {  	[sflag:s0] =	ssyncadd.tile.s32 @!p0 $0x1;
	_ =	shalt  }
.Lfunc_end2:
_tile_overlayer_lowered:
.L_overlay_start_2:
0x32: {  	(tag) =	ssettag $0x2  }
0x33: {  	s0 =	rddreg [dreg:$0x0];
	s2 =	stileid.u32  }
0x34: {  	s1 =	rddreg [dreg:$0x1];
	p0 =	sne.s32 s2, $0x0  }
0x35: {  	s3 =	rddreg [dreg:$0x2];
	[bflag:$0x3] =	sbarrier.arrive $0xFFFF;
	s2 =	simm.s32 @!p0 $0x1C01  }
0x36: {  	[timem:s3], [sflag:s2] =	dma.local @!p0 [hbm:s0], s1  }
0x37: {  	s0 =	simm.s32 @!p0 $0x1  }
0x38: {  	_ =	swait.ge @!p0 [sflag:s0], s1  }
0x39: {  	s1 =	ssub.s32 @!p0 $0x0, s1;
	[sflag:s0] =	ssyncset.done @!p0 $0x0  }
0x3a: {  	[sflag:s0] =	ssyncadd.s32 @!p0 s1  }
0x3b: {  	[bflag:$0x3] =	sbarrier.arrive $0xFFFF  }
0x3c: {  	_ =	shalt  }

</sc_bundles>
